<compile_context>
chip_gen: v7x
topology: tpu7x:2x2x1
jax: 0.10.2.dev20260603
libtpu: 0.0.44.dev20260713+nightly
codegen_flags: <defaults>
</compile_context>

<pallas_src>
import functools

import jax
import jax.numpy as jnp
from jax import lax
from jax.experimental import pallas as pl
from jax.experimental.pallas import tpu as pltpu
from jax.experimental.pallas import tpu_sc as plsc

B = 4096
F = 1000
D = 64
K = 20
REG = 0.01

_NW = 32
_BPW = B // _NW

_R = 512
_G = B // _R
_RC = 1024
_GC = B // _RC


_TC = 2048
_TG = -(-100000 // _TC)


def _transpose_pad_body(ut_ref, out_ref):
    t = ut_ref[...].T
    out_ref[...] = jnp.concatenate(
        [t, jnp.zeros((_TC, D), jnp.float32)], axis=1)


def _tc_transpose_pad(Ut):
    n = Ut.shape[1]
    return pl.pallas_call(
        _transpose_pad_body,
        grid=(_TG,),
        in_specs=[pl.BlockSpec((D, _TC), lambda i: (0, i))],
        out_specs=pl.BlockSpec((_TC, 2 * D), lambda i: (i, 0)),
        out_shape=jax.ShapeDtypeStruct((n, 2 * D), jnp.float32),
    )(Ut)


def _sc_gather(Uwide, Vwide, uid, pid, nid):
    mesh = plsc.VectorSubcoreMesh(core_axis_name="c", subcore_axis_name="s")

    @functools.partial(
        pl.kernel,
        mesh=mesh,
        compiler_params=pltpu.CompilerParams(use_tc_tiling_on_sc=True),
        out_type=[jax.ShapeDtypeStruct((B, 2 * D), jnp.float32)] * 3,
        scratch_types=[
            pltpu.VMEM((_BPW,), jnp.int32),
            pltpu.VMEM((_BPW,), jnp.int32),
            pltpu.VMEM((_BPW,), jnp.int32),
            pltpu.VMEM((_BPW, 2 * D), jnp.float32),
            pltpu.VMEM((_BPW, 2 * D), jnp.float32),
            pltpu.VMEM((_BPW, 2 * D), jnp.float32),
            pltpu.SemaphoreType.DMA,
            pltpu.SemaphoreType.DMA,
            pltpu.SemaphoreType.DMA,
        ],
    )
    def gather_k(u_hbm, v_hbm, uid_hbm, pid_hbm, nid_hbm, ou, op, on,
                 iu, ip, inn, ru, rp, rn, su, sp, sn):
        wid = lax.axis_index("s") * 2 + lax.axis_index("c")
        base = wid * _BPW
        pltpu.sync_copy(uid_hbm.at[pl.ds(base, _BPW)], iu)
        pltpu.sync_copy(pid_hbm.at[pl.ds(base, _BPW)], ip)
        pltpu.sync_copy(nid_hbm.at[pl.ds(base, _BPW)], inn)
        cu = pltpu.async_copy(u_hbm.at[iu], ru, su)
        cp = pltpu.async_copy(v_hbm.at[ip], rp, sp)
        cn = pltpu.async_copy(v_hbm.at[inn], rn, sn)
        cu.wait()
        cp.wait()
        cn.wait()
        pltpu.sync_copy(ru, ou.at[pl.ds(base, _BPW)])
        pltpu.sync_copy(rp, op.at[pl.ds(base, _BPW)])
        pltpu.sync_copy(rn, on.at[pl.ds(base, _BPW)])

    return gather_k(Uwide, Vwide, uid, pid, nid)


def _heavy_body(x_ref, tau_ref, pif_ref, nif_ref, wut_ref, wit_ref,
                ufwu_ref, pwi_ref, nwi_ref, reg_ref, acc_ref):
    i = pl.program_id(0)
    x = x_ref[...]

    rows = lax.broadcasted_iota(jnp.int32, (F, _R), 0)
    work = x
    for _ in range(K):
        r = jnp.argmax(work, axis=0)
        work = jnp.where(rows == r[None, :], -jnp.inf, work)

    mtau = jnp.where(work == -jnp.inf, tau_ref[...], 0.0)
    uf = x + mtau
    dims = (((1,), (0,)), ((), ()))
    ufwu_ref[...] = lax.dot_general(
        wut_ref[...], uf, dims, preferred_element_type=jnp.float32).T
    pwi_ref[...] = lax.dot_general(
        wit_ref[...], pif_ref[...], dims,
        preferred_element_type=jnp.float32).T
    nwi_ref[...] = lax.dot_general(
        wit_ref[...], nif_ref[...], dims,
        preferred_element_type=jnp.float32).T

    @pl.when(i == 0)
    def _init():
        acc_ref[0] = 0.0

    acc_ref[0] += jnp.sum(mtau * mtau)

    @pl.when(i == _G - 1)
    def _fin():
        reg_ref[0, 0] = acc_ref[0]


def _combine_body(ufwu_ref, pwi_ref, nwi_ref, ug_ref, vp_ref, vn_ref,
                  reg_ref, conf_ref, loss_ref, acc_ref):
    i = pl.program_id(0)
    ue = ug_ref[:, :D] + ufwu_ref[...]
    pos = jnp.sum(ue * (vp_ref[:, :D] + pwi_ref[...]), axis=1)
    neg = jnp.sum(ue * (vn_ref[:, :D] + nwi_ref[...]), axis=1)
    d = pos - neg
    conf = jnp.maximum(d, 0.0) + jnp.log1p(jnp.exp(-jnp.abs(d)))
    conf_ref[0, 0, :] = conf

    @pl.when(i == 0)
    def _init():
        acc_ref[0] = 0.0

    acc_ref[0] += jnp.sum(conf)

    @pl.when(i == _GC - 1)
    def _fin():
        loss_ref[0, 0] = acc_ref[0] + REG * jnp.sqrt(reg_ref[0, 0])


def _tc_heavy(ufb_t, tau_t, pif_t, nif_t, WuT, WiT):
    col_spec = pl.BlockSpec((F, _R), lambda i: (0, i))
    w_spec = pl.BlockSpec((D, F), lambda i: (0, 0))
    emb_spec = pl.BlockSpec((_R, D), lambda i: (i, 0))
    return pl.pallas_call(
        _heavy_body,
        grid=(_G,),
        in_specs=[col_spec, col_spec, col_spec, col_spec, w_spec, w_spec],
        out_specs=[
            emb_spec, emb_spec, emb_spec,
            pl.BlockSpec((1, 1), lambda i: (0, 0), memory_space=pltpu.SMEM),
        ],
        out_shape=[
            jax.ShapeDtypeStruct((B, D), jnp.float32),
            jax.ShapeDtypeStruct((B, D), jnp.float32),
            jax.ShapeDtypeStruct((B, D), jnp.float32),
            jax.ShapeDtypeStruct((1, 1), jnp.float32),
        ],
        scratch_shapes=[pltpu.SMEM((1,), jnp.float32)],
    )(ufb_t, tau_t, pif_t, nif_t, WuT, WiT)


def _tc_combine(ufwu, pwi, nwi, Ug, Vp, Vn, regsum):
    emb_spec = pl.BlockSpec((_RC, D), lambda i: (i, 0))
    g_spec = pl.BlockSpec((_RC, 2 * D), lambda i: (i, 0))
    return pl.pallas_call(
        _combine_body,
        grid=(_GC,),
        in_specs=[
            emb_spec, emb_spec, emb_spec, g_spec, g_spec, g_spec,
            pl.BlockSpec((1, 1), lambda i: (0, 0), memory_space=pltpu.SMEM),
        ],
        out_specs=[
            pl.BlockSpec((1, 1, _RC), lambda i: (i, 0, 0)),
            pl.BlockSpec((1, 1), lambda i: (0, 0), memory_space=pltpu.SMEM),
        ],
        out_shape=[
            jax.ShapeDtypeStruct((_GC, 1, _RC), jnp.float32),
            jax.ShapeDtypeStruct((1, 1), jnp.float32),
        ],
        scratch_shapes=[pltpu.SMEM((1,), jnp.float32)],
    )(ufwu, pwi, nwi, Ug, Vp, Vn, regsum)


def kernel(user_batch, user_feature_batch, pos_item_batch,
           pos_item_feature_batch, neg_item_batch, neg_item_feature_batch,
           tau, U, V, Wu, Wi):
    uid = user_batch.astype(jnp.int32)
    pid = pos_item_batch.astype(jnp.int32)
    nid = neg_item_batch.astype(jnp.int32)
    Uwide = _tc_transpose_pad(U.T)
    Vwide = _tc_transpose_pad(V.T)
    Ug, Vp, Vn = _sc_gather(Uwide, Vwide, uid, pid, nid)
    ufwu, pwi, nwi, regsum = _tc_heavy(
        user_feature_batch.T, tau.T, pos_item_feature_batch.T,
        neg_item_feature_batch.T, Wu.T, Wi.T)
    conf2d, loss = _tc_combine(ufwu, pwi, nwi, Ug, Vp, Vn, regsum)
    return (loss[0, 0], conf2d.reshape(B))

# --- scband reference (transcript-rebuilt; emitter-appended) ---
"""Pipeline reference for scband-intervener-10161892622842 (READ-ONLY COPY).

The authoritative reference and input builder live on the scoring server;
editing this copy changes nothing except your own understanding.
"""

import jax, jax.numpy as jnp
import numpy as np

B = 4096      # intervener_batch_size
F = 1000      # feature_number
U_N = 100000  # user_number
I_N = 100000  # item_number
D = 64        # anchor embed dim
K = 20        # intervener_feature_number (top-k)
REG = 0.01    # intervener_reg


def setup_inputs(seed: int = 0) -> dict:
    key = jax.random.key(seed)
    ks = jax.random.split(key, 11)
    return {
        "user_batch": jax.random.randint(ks[0], (B,), 0, U_N, dtype=jnp.int64 if jax.config.jax_enable_x64 else jnp.int32),
        "user_feature_batch": jax.random.normal(ks[1], (B, F), dtype=jnp.float32),
        "pos_item_batch": jax.random.randint(ks[2], (B,), 0, I_N, dtype=jnp.int64 if jax.config.jax_enable_x64 else jnp.int32),
        "pos_item_feature_batch": jax.random.normal(ks[3], (B, F), dtype=jnp.float32),
        "neg_item_batch": jax.random.randint(ks[4], (B,), 0, I_N, dtype=jnp.int64 if jax.config.jax_enable_x64 else jnp.int32),
        "neg_item_feature_batch": jax.random.normal(ks[5], (B, F), dtype=jnp.float32),
        # learned intervention parameter tau ~ U(-1, 1)
        "tau": jax.random.uniform(ks[6], (B, F), dtype=jnp.float32, minval=-1.0, maxval=1.0),
        # frozen anchor model parameters (user/item id embeddings + feature projections)
        "U": jax.random.normal(ks[7], (U_N, D), dtype=jnp.float32) * 0.02,
        "V": jax.random.normal(ks[8], (I_N, D), dtype=jnp.float32) * 0.02,
        "Wu": jax.random.normal(ks[9], (F, D), dtype=jnp.float32) * 0.02,
        "Wi": jax.random.normal(ks[10], (F, D), dtype=jnp.float32) * 0.02,
    }


def _predict_score(uid, uf, iid, itf, U, V, Wu, Wi):
    # anchor.predict_score: dot product of (id embedding + feature projection)
    ue = jnp.take(U, uid, axis=0) + uf @ Wu
    ie = jnp.take(V, iid, axis=0) + itf @ Wi
    return jnp.sum(ue * ie, axis=1)


def reference(user_batch, user_feature_batch, pos_item_batch, pos_item_feature_batch,
              neg_item_batch, neg_item_feature_batch, tau, U, V, Wu, Wi):
    # hard mask branch (intervener_soft == False, fid == -1)
    _, idx = jax.lax.top_k(user_feature_batch, K)  # [B, K]
    rows = jnp.arange(B)[:, None]
    mask = jnp.zeros((B, F), dtype=jnp.float32).at[rows, idx].set(1.0)
    masked_tau = tau * mask
    uf = user_feature_batch + masked_tau
    pos_score = _predict_score(user_batch, uf, pos_item_batch, pos_item_feature_batch, U, V, Wu, Wi)
    neg_score = _predict_score(user_batch, uf, neg_item_batch, neg_item_feature_batch, U, V, Wu, Wi)
    conf = -jax.nn.log_sigmoid(neg_score - pos_score)
    loss_sum = jnp.sum(conf) + REG * jnp.sqrt(jnp.sum(masked_tau ** 2))
    return (loss_sum, conf)

if __name__ == "__main__":
    import jax
    _d = setup_inputs()
    print(jax.jit(kernel)(*tuple(_d.values())))

</pallas_src>

<mosaic_0001>
#map = affine_map<(d0, d1) -> (0, 0)>
#map1 = affine_map<(d0, d1) -> (0)>
module attributes {stable_mosaic.version = 14 : i64} {
  func.func @gather_k(%arg0: i32, %arg1: i32, %arg2: memref<100000x128xf32, #tpu.memory_space<hbm>>, %arg3: memref<100000x128xf32, #tpu.memory_space<hbm>>, %arg4: memref<4096xi32, #tpu.memory_space<hbm>>, %arg5: memref<4096xi32, #tpu.memory_space<hbm>>, %arg6: memref<4096xi32, #tpu.memory_space<hbm>>, %arg7: memref<4096x128xf32, #tpu.memory_space<hbm>>, %arg8: memref<4096x128xf32, #tpu.memory_space<hbm>>, %arg9: memref<4096x128xf32, #tpu.memory_space<hbm>>, %arg10: memref<128xi32, #tpu.memory_space<vmem>>, %arg11: memref<128xi32, #tpu.memory_space<vmem>>, %arg12: memref<128xi32, #tpu.memory_space<vmem>>, %arg13: memref<128x128xf32, #tpu.memory_space<vmem>>, %arg14: memref<128x128xf32, #tpu.memory_space<vmem>>, %arg15: memref<128x128xf32, #tpu.memory_space<vmem>>, %arg16: memref<!tpu.dma_semaphore, #tpu.memory_space<semaphore_mem>>, %arg17: memref<!tpu.dma_semaphore, #tpu.memory_space<semaphore_mem>>, %arg18: memref<!tpu.dma_semaphore, #tpu.memory_space<semaphore_mem>>) attributes {dimension_semantics = [#tpu.dimension_semantics<core_parallel>, #tpu.dimension_semantics<subcore_parallel>], iteration_bounds = array<i64: 2, 16>, scalar_prefetch = 0 : i64, scratch_operands = 9 : i64, tpu.core_type = #tpu.core_type<sc_vector_subcore>, window_params = [{transform_indices = #map}, {transform_indices = #map}, {transform_indices = #map1}, {transform_indices = #map1}, {transform_indices = #map1}, {transform_indices = #map}, {transform_indices = #map}, {transform_indices = #map}]} {
    %mul3A = arith.constant 2 : i32
    %mul3A_0 = arith.muli %arg1, %mul3A : i32
    %add3A = arith.addi %mul3A_0, %arg0 : i32
    %mul3A_1 = arith.constant 128 : i32
    %mul3A_2 = arith.muli %add3A, %mul3A_1 : i32
    "tpu.region"() ({
      %run_scoped3A = tpu.sem_alloc : memref<!tpu.dma_semaphore, #tpu.memory_space<semaphore_mem>>
      %dma_start3A_19 = tpu.memref_slice %arg4[%mul3A_2] : memref<4096xi32, #tpu.memory_space<hbm>> -> memref<128xi32, #tpu.memory_space<hbm>>
      %dma_start3A_20 = tpu.memref_slice %arg4[%mul3A_2] : memref<4096xi32, #tpu.memory_space<hbm>> -> memref<128xi32, #tpu.memory_space<hbm>>
      tpu.enqueue_dma source(%dma_start3A_20 : memref<128xi32, #tpu.memory_space<hbm>>) target(%arg10 : memref<128xi32, #tpu.memory_space<vmem>>) target_semaphore(%run_scoped3A : memref<!tpu.dma_semaphore, #tpu.memory_space<semaphore_mem>>)
      %dma_wait3A_21 = tpu.memref_slice %arg4[%mul3A_2] : memref<4096xi32, #tpu.memory_space<hbm>> -> memref<128xi32, #tpu.memory_space<hbm>>
      %dma_wait3A_22 = tpu.memref_slice %arg4[%mul3A_2] : memref<4096xi32, #tpu.memory_space<hbm>> -> memref<128xi32, #tpu.memory_space<hbm>>
      tpu.wait_dma2 semaphore(%run_scoped3A : memref<!tpu.dma_semaphore, #tpu.memory_space<semaphore_mem>>) src(%dma_wait3A_22 : memref<128xi32, #tpu.memory_space<hbm>>) dst(%arg10 : memref<128xi32, #tpu.memory_space<vmem>>)
      tpu.yield
    }) : () -> ()
    "tpu.region"() ({
      %run_scoped3A = tpu.sem_alloc : memref<!tpu.dma_semaphore, #tpu.memory_space<semaphore_mem>>
      %dma_start3A_19 = tpu.memref_slice %arg5[%mul3A_2] : memref<4096xi32, #tpu.memory_space<hbm>> -> memref<128xi32, #tpu.memory_space<hbm>>
      %dma_start3A_20 = tpu.memref_slice %arg5[%mul3A_2] : memref<4096xi32, #tpu.memory_space<hbm>> -> memref<128xi32, #tpu.memory_space<hbm>>
      tpu.enqueue_dma source(%dma_start3A_20 : memref<128xi32, #tpu.memory_space<hbm>>) target(%arg11 : memref<128xi32, #tpu.memory_space<vmem>>) target_semaphore(%run_scoped3A : memref<!tpu.dma_semaphore, #tpu.memory_space<semaphore_mem>>)
      %dma_wait3A_21 = tpu.memref_slice %arg5[%mul3A_2] : memref<4096xi32, #tpu.memory_space<hbm>> -> memref<128xi32, #tpu.memory_space<hbm>>
      %dma_wait3A_22 = tpu.memref_slice %arg5[%mul3A_2] : memref<4096xi32, #tpu.memory_space<hbm>> -> memref<128xi32, #tpu.memory_space<hbm>>
      tpu.wait_dma2 semaphore(%run_scoped3A : memref<!tpu.dma_semaphore, #tpu.memory_space<semaphore_mem>>) src(%dma_wait3A_22 : memref<128xi32, #tpu.memory_space<hbm>>) dst(%arg11 : memref<128xi32, #tpu.memory_space<vmem>>)
      tpu.yield
    }) : () -> ()
    "tpu.region"() ({
      %run_scoped3A = tpu.sem_alloc : memref<!tpu.dma_semaphore, #tpu.memory_space<semaphore_mem>>
      %dma_start3A_19 = tpu.memref_slice %arg6[%mul3A_2] : memref<4096xi32, #tpu.memory_space<hbm>> -> memref<128xi32, #tpu.memory_space<hbm>>
      %dma_start3A_20 = tpu.memref_slice %arg6[%mul3A_2] : memref<4096xi32, #tpu.memory_space<hbm>> -> memref<128xi32, #tpu.memory_space<hbm>>
      tpu.enqueue_dma source(%dma_start3A_20 : memref<128xi32, #tpu.memory_space<hbm>>) target(%arg12 : memref<128xi32, #tpu.memory_space<vmem>>) target_semaphore(%run_scoped3A : memref<!tpu.dma_semaphore, #tpu.memory_space<semaphore_mem>>)
      %dma_wait3A_21 = tpu.memref_slice %arg6[%mul3A_2] : memref<4096xi32, #tpu.memory_space<hbm>> -> memref<128xi32, #tpu.memory_space<hbm>>
      %dma_wait3A_22 = tpu.memref_slice %arg6[%mul3A_2] : memref<4096xi32, #tpu.memory_space<hbm>> -> memref<128xi32, #tpu.memory_space<hbm>>
      tpu.wait_dma2 semaphore(%run_scoped3A : memref<!tpu.dma_semaphore, #tpu.memory_space<semaphore_mem>>) src(%dma_wait3A_22 : memref<128xi32, #tpu.memory_space<hbm>>) dst(%arg12 : memref<128xi32, #tpu.memory_space<vmem>>)
      tpu.yield
    }) : () -> ()
    %dma_start3A = arith.constant 0 : i32
    %dma_start3A_3 = arith.constant 0 : i32
    %dma_start3A_4 = tpu.memref_slice %arg2[%dma_start3A, %dma_start3A_3] : memref<100000x128xf32, #tpu.memory_space<hbm>> -> memref<100000x128xf32, #tpu.memory_space<hbm>>
    tpu.enqueue_indirect_dma source(%dma_start3A_4 : memref<100000x128xf32, #tpu.memory_space<hbm>>) target(%arg13 : memref<128x128xf32, #tpu.memory_space<vmem>>) offsets(%arg10 : memref<128xi32, #tpu.memory_space<vmem>>) semaphore(%arg16 : memref<!tpu.dma_semaphore, #tpu.memory_space<semaphore_mem>>)
    %dma_start3A_5 = arith.constant 0 : i32
    %dma_start3A_6 = arith.constant 0 : i32
    %dma_start3A_7 = tpu.memref_slice %arg3[%dma_start3A_5, %dma_start3A_6] : memref<100000x128xf32, #tpu.memory_space<hbm>> -> memref<100000x128xf32, #tpu.memory_space<hbm>>
    tpu.enqueue_indirect_dma source(%dma_start3A_7 : memref<100000x128xf32, #tpu.memory_space<hbm>>) target(%arg14 : memref<128x128xf32, #tpu.memory_space<vmem>>) offsets(%arg11 : memref<128xi32, #tpu.memory_space<vmem>>) semaphore(%arg17 : memref<!tpu.dma_semaphore, #tpu.memory_space<semaphore_mem>>)
    %dma_start3A_8 = arith.constant 0 : i32
    %dma_start3A_9 = arith.constant 0 : i32
    %dma_start3A_10 = tpu.memref_slice %arg3[%dma_start3A_8, %dma_start3A_9] : memref<100000x128xf32, #tpu.memory_space<hbm>> -> memref<100000x128xf32, #tpu.memory_space<hbm>>
    tpu.enqueue_indirect_dma source(%dma_start3A_10 : memref<100000x128xf32, #tpu.memory_space<hbm>>) target(%arg15 : memref<128x128xf32, #tpu.memory_space<vmem>>) offsets(%arg12 : memref<128xi32, #tpu.memory_space<vmem>>) semaphore(%arg18 : memref<!tpu.dma_semaphore, #tpu.memory_space<semaphore_mem>>)
    %dma_wait3A = arith.constant 0 : i32
    %dma_wait3A_11 = arith.constant 0 : i32
    %dma_wait3A_12 = tpu.memref_slice %arg2[%dma_wait3A, %dma_wait3A_11] : memref<100000x128xf32, #tpu.memory_space<hbm>> -> memref<100000x128xf32, #tpu.memory_space<hbm>>
    tpu.wait_indirect_dma semaphore(%arg16 : memref<!tpu.dma_semaphore, #tpu.memory_space<semaphore_mem>>) src(%dma_wait3A_12 : memref<100000x128xf32, #tpu.memory_space<hbm>>) dst(%arg13 : memref<128x128xf32, #tpu.memory_space<vmem>>)
    %dma_wait3A_13 = arith.constant 0 : i32
    %dma_wait3A_14 = arith.constant 0 : i32
    %dma_wait3A_15 = tpu.memref_slice %arg3[%dma_wait3A_13, %dma_wait3A_14] : memref<100000x128xf32, #tpu.memory_space<hbm>> -> memref<100000x128xf32, #tpu.memory_space<hbm>>
    tpu.wait_indirect_dma semaphore(%arg17 : memref<!tpu.dma_semaphore, #tpu.memory_space<semaphore_mem>>) src(%dma_wait3A_15 : memref<100000x128xf32, #tpu.memory_space<hbm>>) dst(%arg14 : memref<128x128xf32, #tpu.memory_space<vmem>>)
    %dma_wait3A_16 = arith.constant 0 : i32
    %dma_wait3A_17 = arith.constant 0 : i32
    %dma_wait3A_18 = tpu.memref_slice %arg3[%dma_wait3A_16, %dma_wait3A_17] : memref<100000x128xf32, #tpu.memory_space<hbm>> -> memref<100000x128xf32, #tpu.memory_space<hbm>>
    tpu.wait_indirect_dma semaphore(%arg18 : memref<!tpu.dma_semaphore, #tpu.memory_space<semaphore_mem>>) src(%dma_wait3A_18 : memref<100000x128xf32, #tpu.memory_space<hbm>>) dst(%arg15 : memref<128x128xf32, #tpu.memory_space<vmem>>)
    "tpu.region"() ({
      %run_scoped3A = tpu.sem_alloc : memref<!tpu.dma_semaphore, #tpu.memory_space<semaphore_mem>>
      %dma_start3A_19 = arith.constant 0 : i32
      %dma_start3A_20 = tpu.memref_slice %arg7[%mul3A_2, %dma_start3A_19] : memref<4096x128xf32, #tpu.memory_space<hbm>> -> memref<128x128xf32, #tpu.memory_space<hbm>>
      %dma_start3A_21 = arith.constant 0 : i32
      %dma_start3A_22 = tpu.memref_slice %arg7[%mul3A_2, %dma_start3A_21] : memref<4096x128xf32, #tpu.memory_space<hbm>> -> memref<128x128xf32, #tpu.memory_space<hbm>>
      tpu.enqueue_dma source(%arg13 : memref<128x128xf32, #tpu.memory_space<vmem>>) target(%dma_start3A_22 : memref<128x128xf32, #tpu.memory_space<hbm>>) target_semaphore(%run_scoped3A : memref<!tpu.dma_semaphore, #tpu.memory_space<semaphore_mem>>)
      %dma_wait3A_23 = arith.constant 0 : i32
      %dma_wait3A_24 = tpu.memref_slice %arg7[%mul3A_2, %dma_wait3A_23] : memref<4096x128xf32, #tpu.memory_space<hbm>> -> memref<128x128xf32, #tpu.memory_space<hbm>>
      %dma_wait3A_25 = arith.constant 0 : i32
      %dma_wait3A_26 = tpu.memref_slice %arg7[%mul3A_2, %dma_wait3A_25] : memref<4096x128xf32, #tpu.memory_space<hbm>> -> memref<128x128xf32, #tpu.memory_space<hbm>>
      tpu.wait_dma2 semaphore(%run_scoped3A : memref<!tpu.dma_semaphore, #tpu.memory_space<semaphore_mem>>) src(%arg13 : memref<128x128xf32, #tpu.memory_space<vmem>>) dst(%dma_wait3A_26 : memref<128x128xf32, #tpu.memory_space<hbm>>)
      tpu.yield
    }) : () -> ()
    "tpu.region"() ({
      %run_scoped3A = tpu.sem_alloc : memref<!tpu.dma_semaphore, #tpu.memory_space<semaphore_mem>>
      %dma_start3A_19 = arith.constant 0 : i32
      %dma_start3A_20 = tpu.memref_slice %arg8[%mul3A_2, %dma_start3A_19] : memref<4096x128xf32, #tpu.memory_space<hbm>> -> memref<128x128xf32, #tpu.memory_space<hbm>>
      %dma_start3A_21 = arith.constant 0 : i32
      %dma_start3A_22 = tpu.memref_slice %arg8[%mul3A_2, %dma_start3A_21] : memref<4096x128xf32, #tpu.memory_space<hbm>> -> memref<128x128xf32, #tpu.memory_space<hbm>>
      tpu.enqueue_dma source(%arg14 : memref<128x128xf32, #tpu.memory_space<vmem>>) target(%dma_start3A_22 : memref<128x128xf32, #tpu.memory_space<hbm>>) target_semaphore(%run_scoped3A : memref<!tpu.dma_semaphore, #tpu.memory_space<semaphore_mem>>)
      %dma_wait3A_23 = arith.constant 0 : i32
      %dma_wait3A_24 = tpu.memref_slice %arg8[%mul3A_2, %dma_wait3A_23] : memref<4096x128xf32, #tpu.memory_space<hbm>> -> memref<128x128xf32, #tpu.memory_space<hbm>>
      %dma_wait3A_25 = arith.constant 0 : i32
      %dma_wait3A_26 = tpu.memref_slice %arg8[%mul3A_2, %dma_wait3A_25] : memref<4096x128xf32, #tpu.memory_space<hbm>> -> memref<128x128xf32, #tpu.memory_space<hbm>>
      tpu.wait_dma2 semaphore(%run_scoped3A : memref<!tpu.dma_semaphore, #tpu.memory_space<semaphore_mem>>) src(%arg14 : memref<128x128xf32, #tpu.memory_space<vmem>>) dst(%dma_wait3A_26 : memref<128x128xf32, #tpu.memory_space<hbm>>)
      tpu.yield
    }) : () -> ()
    "tpu.region"() ({
      %run_scoped3A = tpu.sem_alloc : memref<!tpu.dma_semaphore, #tpu.memory_space<semaphore_mem>>
      %dma_start3A_19 = arith.constant 0 : i32
      %dma_start3A_20 = tpu.memref_slice %arg9[%mul3A_2, %dma_start3A_19] : memref<4096x128xf32, #tpu.memory_space<hbm>> -> memref<128x128xf32, #tpu.memory_space<hbm>>
      %dma_start3A_21 = arith.constant 0 : i32
      %dma_start3A_22 = tpu.memref_slice %arg9[%mul3A_2, %dma_start3A_21] : memref<4096x128xf32, #tpu.memory_space<hbm>> -> memref<128x128xf32, #tpu.memory_space<hbm>>
      tpu.enqueue_dma source(%arg15 : memref<128x128xf32, #tpu.memory_space<vmem>>) target(%dma_start3A_22 : memref<128x128xf32, #tpu.memory_space<hbm>>) target_semaphore(%run_scoped3A : memref<!tpu.dma_semaphore, #tpu.memory_space<semaphore_mem>>)
      %dma_wait3A_23 = arith.constant 0 : i32
      %dma_wait3A_24 = tpu.memref_slice %arg9[%mul3A_2, %dma_wait3A_23] : memref<4096x128xf32, #tpu.memory_space<hbm>> -> memref<128x128xf32, #tpu.memory_space<hbm>>
      %dma_wait3A_25 = arith.constant 0 : i32
      %dma_wait3A_26 = tpu.memref_slice %arg9[%mul3A_2, %dma_wait3A_25] : memref<4096x128xf32, #tpu.memory_space<hbm>> -> memref<128x128xf32, #tpu.memory_space<hbm>>
      tpu.wait_dma2 semaphore(%run_scoped3A : memref<!tpu.dma_semaphore, #tpu.memory_space<semaphore_mem>>) src(%arg15 : memref<128x128xf32, #tpu.memory_space<vmem>>) dst(%dma_wait3A_26 : memref<128x128xf32, #tpu.memory_space<hbm>>)
      tpu.yield
    }) : () -> ()
    return
  }
}

module attributes {stable_mosaic.version = 14 : i64} {
  func.func @_combine_body(%arg0: i32, %arg1: memref<1024x64xf32, #tpu.memory_space<vmem>>, %arg2: memref<1024x64xf32, #tpu.memory_space<vmem>>, %arg3: memref<1024x64xf32, #tpu.memory_space<vmem>>, %arg4: memref<1024x128xf32, #tpu.memory_space<vmem>>, %arg5: memref<1024x128xf32, #tpu.memory_space<vmem>>, %arg6: memref<1024x128xf32, #tpu.memory_space<vmem>>, %arg7: memref<1x1xf32, #tpu.memory_space<smem>>, %arg8: memref<1x1x1024xf32, #tpu.memory_space<vmem>>, %arg9: memref<1x1xf32, #tpu.memory_space<smem>>, %arg10: memref<1xf32, #tpu.memory_space<smem>>) attributes {dimension_semantics = [#tpu.dimension_semantics<arbitrary>], iteration_bounds = array<i64: 4>, scalar_prefetch = 0 : i64, scratch_operands = 1 : i64, tpu.core_type = #tpu.core_type<tc>, window_params = [{transform_indices = @transform_0, window_bounds = array<i64: 1024, 64>}, {transform_indices = @transform_1, window_bounds = array<i64: 1024, 64>}, {transform_indices = @transform_2, window_bounds = array<i64: 1024, 64>}, {transform_indices = @transform_3, window_bounds = array<i64: 1024, 128>}, {transform_indices = @transform_4, window_bounds = array<i64: 1024, 128>}, {transform_indices = @transform_5, window_bounds = array<i64: 1024, 128>}, {transform_indices = @transform_6, window_bounds = array<i64: 1, 1>}, {transform_indices = @transform_7, window_bounds = array<i64: 1, 1, 1024>}, {transform_indices = @transform_8, window_bounds = array<i64: 1, 1>}]} {
    %get3A = arith.constant 0 : index
    %get3A_0 = arith.constant 0 : index
    %get3A_1 = vector.load %arg4[%get3A, %get3A_0] : memref<1024x128xf32, #tpu.memory_space<vmem>>, vector<1024x64xf32>
    %get3A_2 = arith.constant 0 : index
    %get3A_3 = arith.constant 0 : index
    %get3A_4 = vector.load %arg1[%get3A_2, %get3A_3] : memref<1024x64xf32, #tpu.memory_space<vmem>>, vector<1024x64xf32>
    %add3A = arith.addf %get3A_1, %get3A_4 : vector<1024x64xf32>
    %get3A_5 = arith.constant 0 : index
    %get3A_6 = arith.constant 0 : index
    %get3A_7 = vector.load %arg5[%get3A_5, %get3A_6] : memref<1024x128xf32, #tpu.memory_space<vmem>>, vector<1024x64xf32>
    %get3A_8 = arith.constant 0 : index
    %get3A_9 = arith.constant 0 : index
    %get3A_10 = vector.load %arg2[%get3A_8, %get3A_9] : memref<1024x64xf32, #tpu.memory_space<vmem>>, vector<1024x64xf32>
    %add3A_11 = arith.addf %get3A_7, %get3A_10 : vector<1024x64xf32>
    %mul3A = arith.mulf %add3A, %add3A_11 : vector<1024x64xf32>
    %reduce_sum3A = arith.constant dense<0.000000e+00> : vector<1024xf32>
    %reduce_sum3A_12 = vector.multi_reduction <add>, %mul3A, %reduce_sum3A [1] : vector<1024x64xf32> to vector<1024xf32>
    %get3A_13 = arith.constant 0 : index
    %get3A_14 = arith.constant 0 : index
    %get3A_15 = vector.load %arg6[%get3A_13, %get3A_14] : memref<1024x128xf32, #tpu.memory_space<vmem>>, vector<1024x64xf32>
    %get3A_16 = arith.constant 0 : index
    %get3A_17 = arith.constant 0 : index
    %get3A_18 = vector.load %arg3[%get3A_16, %get3A_17] : memref<1024x64xf32, #tpu.memory_space<vmem>>, vector<1024x64xf32>
    %add3A_19 = arith.addf %get3A_15, %get3A_18 : vector<1024x64xf32>
    %mul3A_20 = arith.mulf %add3A, %add3A_19 : vector<1024x64xf32>
    %reduce_sum3A_21 = arith.constant dense<0.000000e+00> : vector<1024xf32>
    %reduce_sum3A_22 = vector.multi_reduction <add>, %mul3A_20, %reduce_sum3A_21 [1] : vector<1024x64xf32> to vector<1024xf32>
    %sub3A = arith.subf %reduce_sum3A_12, %reduce_sum3A_22 : vector<1024xf32>
    %max3A = arith.constant 0.000000e+00 : f32
    %max3A_23 = vector.broadcast %max3A : f32 to vector<1024xf32>
    %max3A_24 = arith.maximumf %sub3A, %max3A_23 : vector<1024xf32>
    %abs3A = math.absf %sub3A : vector<1024xf32>
    %neg3A = arith.constant 0.000000e+00 : f32
    %neg3A_25 = vector.broadcast %neg3A : f32 to vector<1024xf32>
    %neg3A_26 = arith.subf %neg3A_25, %abs3A : vector<1024xf32>
    %exp3A = math.exp %neg3A_26 : vector<1024xf32>
    %log1p3A = math.log1p %exp3A : vector<1024xf32>
    %add3A_27 = arith.addf %max3A_24, %log1p3A : vector<1024xf32>
    %swap3A = arith.constant 0 : index
    %swap3A_28 = arith.constant 0 : index
    %swap3A_29 = arith.constant 0 : index
    %swap3A_30 = vector.load %arg8[%swap3A, %swap3A_28, %swap3A_29] : memref<1x1x1024xf32, #tpu.memory_space<vmem>>, vector<1x1x1024xf32>
    %swap3A_31 = vector.shape_cast %swap3A_30 : vector<1x1x1024xf32> to vector<1024xf32>
    %swap3A_32 = vector.shape_cast %add3A_27 : vector<1024xf32> to vector<1x1x1024xf32>
    tpu.vector_store %arg8[%swap3A, %swap3A_28, %swap3A_29], %swap3A_32 {strides = array<i32>} : memref<1x1x1024xf32, #tpu.memory_space<vmem>>, vector<1x1x1024xf32>,
    %eq3A = arith.constant 0 : i32
    %eq3A_33 = arith.cmpi eq, %arg0, %eq3A : i32
    %convert_element_type3A = arith.extui %eq3A_33 : i1 to i32
    %cond3A = arith.constant 0 : i32
    %cond3A_34 = arith.cmpi ne, %convert_element_type3A, %cond3A : i32
    scf.if %cond3A_34 {
      %swap3A_50 = arith.constant 0.000000e+00 : f32
      %swap3A_51 = arith.constant 0 : index
      %swap3A_52 = memref.load %arg10[%swap3A_51] : memref<1xf32, #tpu.memory_space<smem>>
      memref.store %swap3A_50, %arg10[%swap3A_51] : memref<1xf32, #tpu.memory_space<smem>>
    } else {
    }
    %get3A_35 = arith.constant 0 : index
    %get3A_36 = memref.load %arg10[%get3A_35] : memref<1xf32, #tpu.memory_space<smem>>
    %reduce_sum3A_37 = vector.shape_cast %add3A_27 : vector<1024xf32> to vector<1x1024xf32>
    %reduce_sum3A_38 = arith.constant dense<0.000000e+00> : vector<1xf32>
    %reduce_sum3A_39 = vector.multi_reduction <add>, %reduce_sum3A_37, %reduce_sum3A_38 [1] : vector<1x1024xf32> to vector<1xf32>
    %reduce_sum3A_40 = vector.shape_cast %reduce_sum3A_39 : vector<1xf32> to vector<1x1xf32>
    %reduce_sum3A_41 = vector.extract %reduce_sum3A_40[0, 0] : f32 from vector<1x1xf32>
    %add3A_42 = arith.addf %get3A_36, %reduce_sum3A_41 : f32
    %swap3A_43 = arith.constant 0 : index
    %swap3A_44 = memref.load %arg10[%swap3A_43] : memref<1xf32, #tpu.memory_space<smem>>
    memref.store %add3A_42, %arg10[%swap3A_43] : memref<1xf32, #tpu.memory_space<smem>>
    %eq3A_45 = arith.constant 3 : i32
    %eq3A_46 = arith.cmpi eq, %arg0, %eq3A_45 : i32
    %convert_element_type3A_47 = arith.extui %eq3A_46 : i1 to i32
    %cond3A_48 = arith.constant 0 : i32
    %cond3A_49 = arith.cmpi ne, %convert_element_type3A_47, %cond3A_48 : i32
    scf.if %cond3A_49 {
      %get3A_50 = arith.constant 0 : index
      %get3A_51 = memref.load %arg10[%get3A_50] : memref<1xf32, #tpu.memory_space<smem>>
      %get3A_52 = arith.constant 0 : index
      %get3A_53 = arith.constant 0 : index
      %get3A_54 = memref.load %arg7[%get3A_52, %get3A_53] : memref<1x1xf32, #tpu.memory_space<smem>>
      %sqrt3A = math.sqrt %get3A_54 : f32
      %mul3A_55 = arith.constant 0.00999999977 : f32
      %mul3A_56 = arith.mulf %mul3A_55, %sqrt3A : f32
      %add3A_57 = arith.addf %get3A_51, %mul3A_56 : f32
      %swap3A_58 = arith.constant 0 : index
      %swap3A_59 = arith.constant 0 : index
      %swap3A_60 = memref.load %arg9[%swap3A_58, %swap3A_59] : memref<1x1xf32, #tpu.memory_space<smem>>
      memref.store %add3A_57, %arg9[%swap3A_58, %swap3A_59] : memref<1x1xf32, #tpu.memory_space<smem>>
    } else {
    }
    return
  }
  func.func @transform_0(%arg0: i32) -> (i32, i32) {
    %c0_i32 = arith.constant 0 : i32
    %c0_i32_0 = arith.constant 0 : i32
    return %arg0, %c0_i32 : i32, i32
  }
  func.func @transform_1(%arg0: i32) -> (i32, i32) {
    %c0_i32 = arith.constant 0 : i32
    %c0_i32_0 = arith.constant 0 : i32
    return %arg0, %c0_i32 : i32, i32
  }
  func.func @transform_2(%arg0: i32) -> (i32, i32) {
    %c0_i32 = arith.constant 0 : i32
    %c0_i32_0 = arith.constant 0 : i32
    return %arg0, %c0_i32 : i32, i32
  }
  func.func @transform_3(%arg0: i32) -> (i32, i32) {
    %c0_i32 = arith.constant 0 : i32
    %c0_i32_0 = arith.constant 0 : i32
    return %arg0, %c0_i32 : i32, i32
  }
  func.func @transform_4(%arg0: i32) -> (i32, i32) {
    %c0_i32 = arith.constant 0 : i32
    %c0_i32_0 = arith.constant 0 : i32
    return %arg0, %c0_i32 : i32, i32
  }
  func.func @transform_5(%arg0: i32) -> (i32, i32) {
    %c0_i32 = arith.constant 0 : i32
    %c0_i32_0 = arith.constant 0 : i32
    return %arg0, %c0_i32 : i32, i32
  }
  func.func @transform_6(%arg0: i32) -> (i32, i32) {
    %c0_i32 = arith.constant 0 : i32
    %c0_i32_0 = arith.constant 0 : i32
    %c0_i32_1 = arith.constant 0 : i32
    return %c0_i32, %c0_i32_0 : i32, i32
  }
  func.func @transform_7(%arg0: i32) -> (i32, i32, i32) {
    %c0_i32 = arith.constant 0 : i32
    %c0_i32_0 = arith.constant 0 : i32
    %c0_i32_1 = arith.constant 0 : i32
    return %arg0, %c0_i32, %c0_i32_0 : i32, i32, i32
  }
  func.func @transform_8(%arg0: i32) -> (i32, i32) {
    %c0_i32 = arith.constant 0 : i32
    %c0_i32_0 = arith.constant 0 : i32
    %c0_i32_1 = arith.constant 0 : i32
    return %c0_i32, %c0_i32_0 : i32, i32
  }
}

module attributes {stable_mosaic.version = 14 : i64} {
  func.func @_heavy_body(%arg0: i32, %arg1: memref<1000x512xf32, #tpu.memory_space<vmem>>, %arg2: memref<1000x512xf32, #tpu.memory_space<vmem>>, %arg3: memref<1000x512xf32, #tpu.memory_space<vmem>>, %arg4: memref<1000x512xf32, #tpu.memory_space<vmem>>, %arg5: memref<64x1000xf32, #tpu.memory_space<vmem>>, %arg6: memref<64x1000xf32, #tpu.memory_space<vmem>>, %arg7: memref<512x64xf32, #tpu.memory_space<vmem>>, %arg8: memref<512x64xf32, #tpu.memory_space<vmem>>, %arg9: memref<512x64xf32, #tpu.memory_space<vmem>>, %arg10: memref<1x1xf32, #tpu.memory_space<smem>>, %arg11: memref<1xf32, #tpu.memory_space<smem>>) attributes {dimension_semantics = [#tpu.dimension_semantics<arbitrary>], iteration_bounds = array<i64: 8>, scalar_prefetch = 0 : i64, scratch_operands = 1 : i64, tpu.core_type = #tpu.core_type<tc>, window_params = [{transform_indices = @transform_0, window_bounds = array<i64: 1000, 512>}, {transform_indices = @transform_1, window_bounds = array<i64: 1000, 512>}, {transform_indices = @transform_2, window_bounds = array<i64: 1000, 512>}, {transform_indices = @transform_3, window_bounds = array<i64: 1000, 512>}, {pipeline_mode = #tpu.pipeline_mode<synchronous>, transform_indices = @transform_4, window_bounds = array<i64: 64, 1000>}, {pipeline_mode = #tpu.pipeline_mode<synchronous>, transform_indices = @transform_5, window_bounds = array<i64: 64, 1000>}, {transform_indices = @transform_6, window_bounds = array<i64: 512, 64>}, {transform_indices = @transform_7, window_bounds = array<i64: 512, 64>}, {transform_indices = @transform_8, window_bounds = array<i64: 512, 64>}, {transform_indices = @transform_9, window_bounds = array<i64: 1, 1>}]} {
    %get3A = arith.constant 0 : index
    %get3A_0 = arith.constant 0 : index
    %get3A_1 = vector.load %arg1[%get3A, %get3A_0] : memref<1000x512xf32, #tpu.memory_space<vmem>>, vector<1000x512xf32>
    %iota3A = tpu.iota {dimensions = array<i32: 0>} : vector<1000x512xi32>
    %argmax3A = tpu.reduce_index %get3A_1 {axis = 0 : i32, kind = #tpu.reduction_kind<arg_max>} : vector<1000x512xf32> -> vector<512xi32>
    %broadcast_in_dim3A = vector.shape_cast %argmax3A : vector<512xi32> to vector<1x512xi32>
    %eq3A = vector.broadcast %broadcast_in_dim3A : vector<1x512xi32> to vector<1000x512xi32>
    %eq3A_2 = arith.cmpi eq, %iota3A, %eq3A : vector<1000x512xi32>
    %jit3A = arith.constant 0xFF800000 : f32
    %broadcast_in_dim3A_3 = vector.broadcast %jit3A : f32 to vector<1000x512xf32>
    %select_n3A = arith.select %eq3A_2, %broadcast_in_dim3A_3, %get3A_1 : vector<1000x512xi1>, vector<1000x512xf32>
    %argmax3A_4 = tpu.reduce_index %select_n3A {axis = 0 : i32, kind = #tpu.reduction_kind<arg_max>} : vector<1000x512xf32> -> vector<512xi32>
    %broadcast_in_dim3A_5 = vector.shape_cast %argmax3A_4 : vector<512xi32> to vector<1x512xi32>
    %eq3A_6 = vector.broadcast %broadcast_in_dim3A_5 : vector<1x512xi32> to vector<1000x512xi32>
    %eq3A_7 = arith.cmpi eq, %iota3A, %eq3A_6 : vector<1000x512xi32>
    %jit3A_8 = arith.constant 0xFF800000 : f32
    %broadcast_in_dim3A_9 = vector.broadcast %jit3A_8 : f32 to vector<1000x512xf32>
    %select_n3A_10 = arith.select %eq3A_7, %broadcast_in_dim3A_9, %select_n3A : vector<1000x512xi1>, vector<1000x512xf32>
    %argmax3A_11 = tpu.reduce_index %select_n3A_10 {axis = 0 : i32, kind = #tpu.reduction_kind<arg_max>} : vector<1000x512xf32> -> vector<512xi32>
    %broadcast_in_dim3A_12 = vector.shape_cast %argmax3A_11 : vector<512xi32> to vector<1x512xi32>
    %eq3A_13 = vector.broadcast %broadcast_in_dim3A_12 : vector<1x512xi32> to vector<1000x512xi32>
    %eq3A_14 = arith.cmpi eq, %iota3A, %eq3A_13 : vector<1000x512xi32>
    %jit3A_15 = arith.constant 0xFF800000 : f32
    %broadcast_in_dim3A_16 = vector.broadcast %jit3A_15 : f32 to vector<1000x512xf32>
    %select_n3A_17 = arith.select %eq3A_14, %broadcast_in_dim3A_16, %select_n3A_10 : vector<1000x512xi1>, vector<1000x512xf32>
    %argmax3A_18 = tpu.reduce_index %select_n3A_17 {axis = 0 : i32, kind = #tpu.reduction_kind<arg_max>} : vector<1000x512xf32> -> vector<512xi32>
    %broadcast_in_dim3A_19 = vector.shape_cast %argmax3A_18 : vector<512xi32> to vector<1x512xi32>
    %eq3A_20 = vector.broadcast %broadcast_in_dim3A_19 : vector<1x512xi32> to vector<1000x512xi32>
    %eq3A_21 = arith.cmpi eq, %iota3A, %eq3A_20 : vector<1000x512xi32>
    %jit3A_22 = arith.constant 0xFF800000 : f32
    %broadcast_in_dim3A_23 = vector.broadcast %jit3A_22 : f32 to vector<1000x512xf32>
    %select_n3A_24 = arith.select %eq3A_21, %broadcast_in_dim3A_23, %select_n3A_17 : vector<1000x512xi1>, vector<1000x512xf32>
    %argmax3A_25 = tpu.reduce_index %select_n3A_24 {axis = 0 : i32, kind = #tpu.reduction_kind<arg_max>} : vector<1000x512xf32> -> vector<512xi32>
    %broadcast_in_dim3A_26 = vector.shape_cast %argmax3A_25 : vector<512xi32> to vector<1x512xi32>
    %eq3A_27 = vector.broadcast %broadcast_in_dim3A_26 : vector<1x512xi32> to vector<1000x512xi32>
    %eq3A_28 = arith.cmpi eq, %iota3A, %eq3A_27 : vector<1000x512xi32>
    %jit3A_29 = arith.constant 0xFF800000 : f32
    %broadcast_in_dim3A_30 = vector.broadcast %jit3A_29 : f32 to vector<1000x512xf32>
    %select_n3A_31 = arith.select %eq3A_28, %broadcast_in_dim3A_30, %select_n3A_24 : vector<1000x512xi1>, vector<1000x512xf32>
    %argmax3A_32 = tpu.reduce_index %select_n3A_31 {axis = 0 : i32, kind = #tpu.reduction_kind<arg_max>} : vector<1000x512xf32> -> vector<512xi32>
    %broadcast_in_dim3A_33 = vector.shape_cast %argmax3A_32 : vector<512xi32> to vector<1x512xi32>
    %eq3A_34 = vector.broadcast %broadcast_in_dim3A_33 : vector<1x512xi32> to vector<1000x512xi32>
    %eq3A_35 = arith.cmpi eq, %iota3A, %eq3A_34 : vector<1000x512xi32>
    %jit3A_36 = arith.constant 0xFF800000 : f32
    %broadcast_in_dim3A_37 = vector.broadcast %jit3A_36 : f32 to vector<1000x512xf32>
    %select_n3A_38 = arith.select %eq3A_35, %broadcast_in_dim3A_37, %select_n3A_31 : vector<1000x512xi1>, vector<1000x512xf32>
    %argmax3A_39 = tpu.reduce_index %select_n3A_38 {axis = 0 : i32, kind = #tpu.reduction_kind<arg_max>} : vector<1000x512xf32> -> vector<512xi32>
    %broadcast_in_dim3A_40 = vector.shape_cast %argmax3A_39 : vector<512xi32> to vector<1x512xi32>
    %eq3A_41 = vector.broadcast %broadcast_in_dim3A_40 : vector<1x512xi32> to vector<1000x512xi32>
    %eq3A_42 = arith.cmpi eq, %iota3A, %eq3A_41 : vector<1000x512xi32>
    %jit3A_43 = arith.constant 0xFF800000 : f32
    %broadcast_in_dim3A_44 = vector.broadcast %jit3A_43 : f32 to vector<1000x512xf32>
    %select_n3A_45 = arith.select %eq3A_42, %broadcast_in_dim3A_44, %select_n3A_38 : vector<1000x512xi1>, vector<1000x512xf32>
    %argmax3A_46 = tpu.reduce_index %select_n3A_45 {axis = 0 : i32, kind = #tpu.reduction_kind<arg_max>} : vector<1000x512xf32> -> vector<512xi32>
    %broadcast_in_dim3A_47 = vector.shape_cast %argmax3A_46 : vector<512xi32> to vector<1x512xi32>
    %eq3A_48 = vector.broadcast %broadcast_in_dim3A_47 : vector<1x512xi32> to vector<1000x512xi32>
    %eq3A_49 = arith.cmpi eq, %iota3A, %eq3A_48 : vector<1000x512xi32>
    %jit3A_50 = arith.constant 0xFF800000 : f32
    %broadcast_in_dim3A_51 = vector.broadcast %jit3A_50 : f32 to vector<1000x512xf32>
    %select_n3A_52 = arith.select %eq3A_49, %broadcast_in_dim3A_51, %select_n3A_45 : vector<1000x512xi1>, vector<1000x512xf32>
    %argmax3A_53 = tpu.reduce_index %select_n3A_52 {axis = 0 : i32, kind = #tpu.reduction_kind<arg_max>} : vector<1000x512xf32> -> vector<512xi32>
    %broadcast_in_dim3A_54 = vector.shape_cast %argmax3A_53 : vector<512xi32> to vector<1x512xi32>
    %eq3A_55 = vector.broadcast %broadcast_in_dim3A_54 : vector<1x512xi32> to vector<1000x512xi32>
    %eq3A_56 = arith.cmpi eq, %iota3A, %eq3A_55 : vector<1000x512xi32>
    %jit3A_57 = arith.constant 0xFF800000 : f32
    %broadcast_in_dim3A_58 = vector.broadcast %jit3A_57 : f32 to vector<1000x512xf32>
    %select_n3A_59 = arith.select %eq3A_56, %broadcast_in_dim3A_58, %select_n3A_52 : vector<1000x512xi1>, vector<1000x512xf32>
    %argmax3A_60 = tpu.reduce_index %select_n3A_59 {axis = 0 : i32, kind = #tpu.reduction_kind<arg_max>} : vector<1000x512xf32> -> vector<512xi32>
    %broadcast_in_dim3A_61 = vector.shape_cast %argmax3A_60 : vector<512xi32> to vector<1x512xi32>
    %eq3A_62 = vector.broadcast %broadcast_in_dim3A_61 : vector<1x512xi32> to vector<1000x512xi32>
    %eq3A_63 = arith.cmpi eq, %iota3A, %eq3A_62 : vector<1000x512xi32>
    %jit3A_64 = arith.constant 0xFF800000 : f32
    %broadcast_in_dim3A_65 = vector.broadcast %jit3A_64 : f32 to vector<1000x512xf32>
    %select_n3A_66 = arith.select %eq3A_63, %broadcast_in_dim3A_65, %select_n3A_59 : vector<1000x512xi1>, vector<1000x512xf32>
    %argmax3A_67 = tpu.reduce_index %select_n3A_66 {axis = 0 : i32, kind = #tpu.reduction_kind<arg_max>} : vector<1000x512xf32> -> vector<512xi32>
    %broadcast_in_dim3A_68 = vector.shape_cast %argmax3A_67 : vector<512xi32> to vector<1x512xi32>
    %eq3A_69 = vector.broadcast %broadcast_in_dim3A_68 : vector<1x512xi32> to vector<1000x512xi32>
    %eq3A_70 = arith.cmpi eq, %iota3A, %eq3A_69 : vector<1000x512xi32>
    %jit3A_71 = arith.constant 0xFF800000 : f32
    %broadcast_in_dim3A_72 = vector.broadcast %jit3A_71 : f32 to vector<1000x512xf32>
    %select_n3A_73 = arith.select %eq3A_70, %broadcast_in_dim3A_72, %select_n3A_66 : vector<1000x512xi1>, vector<1000x512xf32>
    %argmax3A_74 = tpu.reduce_index %select_n3A_73 {axis = 0 : i32, kind = #tpu.reduction_kind<arg_max>} : vector<1000x512xf32> -> vector<512xi32>
    %broadcast_in_dim3A_75 = vector.shape_cast %argmax3A_74 : vector<512xi32> to vector<1x512xi32>
    %eq3A_76 = vector.broadcast %broadcast_in_dim3A_75 : vector<1x512xi32> to vector<1000x512xi32>
    %eq3A_77 = arith.cmpi eq, %iota3A, %eq3A_76 : vector<1000x512xi32>
    %jit3A_78 = arith.constant 0xFF800000 : f32
    %broadcast_in_dim3A_79 = vector.broadcast %jit3A_78 : f32 to vector<1000x512xf32>
    %select_n3A_80 = arith.select %eq3A_77, %broadcast_in_dim3A_79, %select_n3A_73 : vector<1000x512xi1>, vector<1000x512xf32>
    %argmax3A_81 = tpu.reduce_index %select_n3A_80 {axis = 0 : i32, kind = #tpu.reduction_kind<arg_max>} : vector<1000x512xf32> -> vector<512xi32>
    %broadcast_in_dim3A_82 = vector.shape_cast %argmax3A_81 : vector<512xi32> to vector<1x512xi32>
    %eq3A_83 = vector.broadcast %broadcast_in_dim3A_82 : vector<1x512xi32> to vector<1000x512xi32>
    %eq3A_84 = arith.cmpi eq, %iota3A, %eq3A_83 : vector<1000x512xi32>
    %jit3A_85 = arith.constant 0xFF800000 : f32
    %broadcast_in_dim3A_86 = vector.broadcast %jit3A_85 : f32 to vector<1000x512xf32>
    %select_n3A_87 = arith.select %eq3A_84, %broadcast_in_dim3A_86, %select_n3A_80 : vector<1000x512xi1>, vector<1000x512xf32>
    %argmax3A_88 = tpu.reduce_index %select_n3A_87 {axis = 0 : i32, kind = #tpu.reduction_kind<arg_max>} : vector<1000x512xf32> -> vector<512xi32>
    %broadcast_in_dim3A_89 = vector.shape_cast %argmax3A_88 : vector<512xi32> to vector<1x512xi32>
    %eq3A_90 = vector.broadcast %broadcast_in_dim3A_89 : vector<1x512xi32> to vector<1000x512xi32>
    %eq3A_91 = arith.cmpi eq, %iota3A, %eq3A_90 : vector<1000x512xi32>
    %jit3A_92 = arith.constant 0xFF800000 : f32
    %broadcast_in_dim3A_93 = vector.broadcast %jit3A_92 : f32 to vector<1000x512xf32>
    %select_n3A_94 = arith.select %eq3A_91, %broadcast_in_dim3A_93, %select_n3A_87 : vector<1000x512xi1>, vector<1000x512xf32>
    %argmax3A_95 = tpu.reduce_index %select_n3A_94 {axis = 0 : i32, kind = #tpu.reduction_kind<arg_max>} : vector<1000x512xf32> -> vector<512xi32>
    %broadcast_in_dim3A_96 = vector.shape_cast %argmax3A_95 : vector<512xi32> to vector<1x512xi32>
    %eq3A_97 = vector.broadcast %broadcast_in_dim3A_96 : vector<1x512xi32> to vector<1000x512xi32>
    %eq3A_98 = arith.cmpi eq, %iota3A, %eq3A_97 : vector<1000x512xi32>
    %jit3A_99 = arith.constant 0xFF800000 : f32
    %broadcast_in_dim3A_100 = vector.broadcast %jit3A_99 : f32 to vector<1000x512xf32>
    %select_n3A_101 = arith.select %eq3A_98, %broadcast_in_dim3A_100, %select_n3A_94 : vector<1000x512xi1>, vector<1000x512xf32>
    %argmax3A_102 = tpu.reduce_index %select_n3A_101 {axis = 0 : i32, kind = #tpu.reduction_kind<arg_max>} : vector<1000x512xf32> -> vector<512xi32>
    %broadcast_in_dim3A_103 = vector.shape_cast %argmax3A_102 : vector<512xi32> to vector<1x512xi32>
    %eq3A_104 = vector.broadcast %broadcast_in_dim3A_103 : vector<1x512xi32> to vector<1000x512xi32>
    %eq3A_105 = arith.cmpi eq, %iota3A, %eq3A_104 : vector<1000x512xi32>
    %jit3A_106 = arith.constant 0xFF800000 : f32
    %broadcast_in_dim3A_107 = vector.broadcast %jit3A_106 : f32 to vector<1000x512xf32>
    %select_n3A_108 = arith.select %eq3A_105, %broadcast_in_dim3A_107, %select_n3A_101 : vector<1000x512xi1>, vector<1000x512xf32>
    %argmax3A_109 = tpu.reduce_index %select_n3A_108 {axis = 0 : i32, kind = #tpu.reduction_kind<arg_max>} : vector<1000x512xf32> -> vector<512xi32>
    %broadcast_in_dim3A_110 = vector.shape_cast %argmax3A_109 : vector<512xi32> to vector<1x512xi32>
    %eq3A_111 = vector.broadcast %broadcast_in_dim3A_110 : vector<1x512xi32> to vector<1000x512xi32>
    %eq3A_112 = arith.cmpi eq, %iota3A, %eq3A_111 : vector<1000x512xi32>
    %jit3A_113 = arith.constant 0xFF800000 : f32
    %broadcast_in_dim3A_114 = vector.broadcast %jit3A_113 : f32 to vector<1000x512xf32>
    %select_n3A_115 = arith.select %eq3A_112, %broadcast_in_dim3A_114, %select_n3A_108 : vector<1000x512xi1>, vector<1000x512xf32>
    %argmax3A_116 = tpu.reduce_index %select_n3A_115 {axis = 0 : i32, kind = #tpu.reduction_kind<arg_max>} : vector<1000x512xf32> -> vector<512xi32>
    %broadcast_in_dim3A_117 = vector.shape_cast %argmax3A_116 : vector<512xi32> to vector<1x512xi32>
    %eq3A_118 = vector.broadcast %broadcast_in_dim3A_117 : vector<1x512xi32> to vector<1000x512xi32>
    %eq3A_119 = arith.cmpi eq, %iota3A, %eq3A_118 : vector<1000x512xi32>
    %jit3A_120 = arith.constant 0xFF800000 : f32
    %broadcast_in_dim3A_121 = vector.broadcast %jit3A_120 : f32 to vector<1000x512xf32>
    %select_n3A_122 = arith.select %eq3A_119, %broadcast_in_dim3A_121, %select_n3A_115 : vector<1000x512xi1>, vector<1000x512xf32>
    %argmax3A_123 = tpu.reduce_index %select_n3A_122 {axis = 0 : i32, kind = #tpu.reduction_kind<arg_max>} : vector<1000x512xf32> -> vector<512xi32>
    %broadcast_in_dim3A_124 = vector.shape_cast %argmax3A_123 : vector<512xi32> to vector<1x512xi32>
    %eq3A_125 = vector.broadcast %broadcast_in_dim3A_124 : vector<1x512xi32> to vector<1000x512xi32>
    %eq3A_126 = arith.cmpi eq, %iota3A, %eq3A_125 : vector<1000x512xi32>
    %jit3A_127 = arith.constant 0xFF800000 : f32
    %broadcast_in_dim3A_128 = vector.broadcast %jit3A_127 : f32 to vector<1000x512xf32>
    %select_n3A_129 = arith.select %eq3A_126, %broadcast_in_dim3A_128, %select_n3A_122 : vector<1000x512xi1>, vector<1000x512xf32>
    %argmax3A_130 = tpu.reduce_index %select_n3A_129 {axis = 0 : i32, kind = #tpu.reduction_kind<arg_max>} : vector<1000x512xf32> -> vector<512xi32>
    %broadcast_in_dim3A_131 = vector.shape_cast %argmax3A_130 : vector<512xi32> to vector<1x512xi32>
    %eq3A_132 = vector.broadcast %broadcast_in_dim3A_131 : vector<1x512xi32> to vector<1000x512xi32>
    %eq3A_133 = arith.cmpi eq, %iota3A, %eq3A_132 : vector<1000x512xi32>
    %jit3A_134 = arith.constant 0xFF800000 : f32
    %broadcast_in_dim3A_135 = vector.broadcast %jit3A_134 : f32 to vector<1000x512xf32>
    %select_n3A_136 = arith.select %eq3A_133, %broadcast_in_dim3A_135, %select_n3A_129 : vector<1000x512xi1>, vector<1000x512xf32>
    %eq3A_137 = arith.constant 0xFF800000 : f32
    %eq3A_138 = vector.broadcast %eq3A_137 : f32 to vector<1000x512xf32>
    %eq3A_139 = arith.cmpf oeq, %select_n3A_136, %eq3A_138 : vector<1000x512xf32>
    %get3A_140 = arith.constant 0 : index
    %get3A_141 = arith.constant 0 : index
    %get3A_142 = vector.load %arg2[%get3A_140, %get3A_141] : memref<1000x512xf32, #tpu.memory_space<vmem>>, vector<1000x512xf32>
    %jit3A_143 = arith.constant 0.000000e+00 : f32
    %broadcast_in_dim3A_144 = vector.broadcast %jit3A_143 : f32 to vector<1000x512xf32>
    %select_n3A_145 = arith.select %eq3A_139, %get3A_142, %broadcast_in_dim3A_144 : vector<1000x512xi1>, vector<1000x512xf32>
    %add3A = arith.addf %get3A_1, %select_n3A_145 : vector<1000x512xf32>
    %get3A_146 = arith.constant 0 : index
    %get3A_147 = arith.constant 0 : index
    %get3A_148 = vector.load %arg5[%get3A_146, %get3A_147] : memref<64x1000xf32, #tpu.memory_space<vmem>>, vector<64x1000xf32>
    %dot_general3A = arith.constant dense<0.000000e+00> : vector<64x512xf32>
    %dot_general3A_149 = tpu.matmul %get3A_148, %add3A, %dot_general3A {dimension_numbers = #tpu.dot_dimension_numbers<[1], [0], [0], [1], [0, 0, 1, 1], [], []>, transpose_lhs_hint = false} : vector<64x1000xf32>, vector<1000x512xf32>, vector<64x512xf32> -> vector<64x512xf32>
    %transpose3A = tpu.transpose %dot_general3A_149, [1, 0] : vector<64x512xf32> -> vector<512x64xf32>
    %swap3A = arith.constant 0 : index
    %swap3A_150 = arith.constant 0 : index
    %swap3A_151 = vector.load %arg7[%swap3A, %swap3A_150] : memref<512x64xf32, #tpu.memory_space<vmem>>, vector<512x64xf32>
    tpu.vector_store %arg7[%swap3A, %swap3A_150], %transpose3A {strides = array<i32>} : memref<512x64xf32, #tpu.memory_space<vmem>>, vector<512x64xf32>,
    %get3A_152 = arith.constant 0 : index
    %get3A_153 = arith.constant 0 : index
    %get3A_154 = vector.load %arg6[%get3A_152, %get3A_153] : memref<64x1000xf32, #tpu.memory_space<vmem>>, vector<64x1000xf32>
    %get3A_155 = arith.constant 0 : index
    %get3A_156 = arith.constant 0 : index
    %get3A_157 = vector.load %arg3[%get3A_155, %get3A_156] : memref<1000x512xf32, #tpu.memory_space<vmem>>, vector<1000x512xf32>
    %dot_general3A_158 = arith.constant dense<0.000000e+00> : vector<64x512xf32>
    %dot_general3A_159 = tpu.matmul %get3A_154, %get3A_157, %dot_general3A_158 {dimension_numbers = #tpu.dot_dimension_numbers<[1], [0], [0], [1], [0, 0, 1, 1], [], []>, transpose_lhs_hint = false} : vector<64x1000xf32>, vector<1000x512xf32>, vector<64x512xf32> -> vector<64x512xf32>
    %transpose3A_160 = tpu.transpose %dot_general3A_159, [1, 0] : vector<64x512xf32> -> vector<512x64xf32>
    %swap3A_161 = arith.constant 0 : index
    %swap3A_162 = arith.constant 0 : index
    %swap3A_163 = vector.load %arg8[%swap3A_161, %swap3A_162] : memref<512x64xf32, #tpu.memory_space<vmem>>, vector<512x64xf32>
    tpu.vector_store %arg8[%swap3A_161, %swap3A_162], %transpose3A_160 {strides = array<i32>} : memref<512x64xf32, #tpu.memory_space<vmem>>, vector<512x64xf32>,
    %get3A_164 = arith.constant 0 : index
    %get3A_165 = arith.constant 0 : index
    %get3A_166 = vector.load %arg6[%get3A_164, %get3A_165] : memref<64x1000xf32, #tpu.memory_space<vmem>>, vector<64x1000xf32>
    %get3A_167 = arith.constant 0 : index
    %get3A_168 = arith.constant 0 : index
    %get3A_169 = vector.load %arg4[%get3A_167, %get3A_168] : memref<1000x512xf32, #tpu.memory_space<vmem>>, vector<1000x512xf32>
    %dot_general3A_170 = arith.constant dense<0.000000e+00> : vector<64x512xf32>
    %dot_general3A_171 = tpu.matmul %get3A_166, %get3A_169, %dot_general3A_170 {dimension_numbers = #tpu.dot_dimension_numbers<[1], [0], [0], [1], [0, 0, 1, 1], [], []>, transpose_lhs_hint = false} : vector<64x1000xf32>, vector<1000x512xf32>, vector<64x512xf32> -> vector<64x512xf32>
    %transpose3A_172 = tpu.transpose %dot_general3A_171, [1, 0] : vector<64x512xf32> -> vector<512x64xf32>
    %swap3A_173 = arith.constant 0 : index
    %swap3A_174 = arith.constant 0 : index
    %swap3A_175 = vector.load %arg9[%swap3A_173, %swap3A_174] : memref<512x64xf32, #tpu.memory_space<vmem>>, vector<512x64xf32>
    tpu.vector_store %arg9[%swap3A_173, %swap3A_174], %transpose3A_172 {strides = array<i32>} : memref<512x64xf32, #tpu.memory_space<vmem>>, vector<512x64xf32>,
    %eq3A_176 = arith.constant 0 : i32
    %eq3A_177 = arith.cmpi eq, %arg0, %eq3A_176 : i32
    %convert_element_type3A = arith.extui %eq3A_177 : i1 to i32
    %cond3A = arith.constant 0 : i32
    %cond3A_178 = arith.cmpi ne, %convert_element_type3A, %cond3A : i32
    scf.if %cond3A_178 {
      %swap3A_193 = arith.constant 0.000000e+00 : f32
      %swap3A_194 = arith.constant 0 : index
      %swap3A_195 = memref.load %arg11[%swap3A_194] : memref<1xf32, #tpu.memory_space<smem>>
      memref.store %swap3A_193, %arg11[%swap3A_194] : memref<1xf32, #tpu.memory_space<smem>>
    } else {
    }
    %get3A_179 = arith.constant 0 : index
    %get3A_180 = memref.load %arg11[%get3A_179] : memref<1xf32, #tpu.memory_space<smem>>
    %mul3A = arith.mulf %select_n3A_145, %select_n3A_145 : vector<1000x512xf32>
    %reduce_sum3A = vector.shape_cast %mul3A : vector<1000x512xf32> to vector<1x1000x512xf32>
    %reduce_sum3A_181 = arith.constant dense<0.000000e+00> : vector<1xf32>
    %reduce_sum3A_182 = vector.multi_reduction <add>, %reduce_sum3A, %reduce_sum3A_181 [1, 2] : vector<1x1000x512xf32> to vector<1xf32>
    %reduce_sum3A_183 = vector.shape_cast %reduce_sum3A_182 : vector<1xf32> to vector<1x1x1xf32>
    %reduce_sum3A_184 = vector.extract %reduce_sum3A_183[0, 0, 0] : f32 from vector<1x1x1xf32>
    %add3A_185 = arith.addf %get3A_180, %reduce_sum3A_184 : f32
    %swap3A_186 = arith.constant 0 : index
    %swap3A_187 = memref.load %arg11[%swap3A_186] : memref<1xf32, #tpu.memory_space<smem>>
    memref.store %add3A_185, %arg11[%swap3A_186] : memref<1xf32, #tpu.memory_space<smem>>
    %eq3A_188 = arith.constant 7 : i32
    %eq3A_189 = arith.cmpi eq, %arg0, %eq3A_188 : i32
    %convert_element_type3A_190 = arith.extui %eq3A_189 : i1 to i32
    %cond3A_191 = arith.constant 0 : i32
    %cond3A_192 = arith.cmpi ne, %convert_element_type3A_190, %cond3A_191 : i32
    scf.if %cond3A_192 {
      %get3A_193 = arith.constant 0 : index
      %get3A_194 = memref.load %arg11[%get3A_193] : memref<1xf32, #tpu.memory_space<smem>>
      %swap3A_195 = arith.constant 0 : index
      %swap3A_196 = arith.constant 0 : index
      %swap3A_197 = memref.load %arg10[%swap3A_195, %swap3A_196] : memref<1x1xf32, #tpu.memory_space<smem>>
      memref.store %get3A_194, %arg10[%swap3A_195, %swap3A_196] : memref<1x1xf32, #tpu.memory_space<smem>>
    } else {
    }
    return
  }
  func.func @transform_0(%arg0: i32) -> (i32, i32) {
    %c0_i32 = arith.constant 0 : i32
    %c0_i32_0 = arith.constant 0 : i32
    return %c0_i32, %arg0 : i32, i32
  }
  func.func @transform_1(%arg0: i32) -> (i32, i32) {
    %c0_i32 = arith.constant 0 : i32
    %c0_i32_0 = arith.constant 0 : i32
    return %c0_i32, %arg0 : i32, i32
  }
  func.func @transform_2(%arg0: i32) -> (i32, i32) {
    %c0_i32 = arith.constant 0 : i32
    %c0_i32_0 = arith.constant 0 : i32
    return %c0_i32, %arg0 : i32, i32
  }
  func.func @transform_3(%arg0: i32) -> (i32, i32) {
    %c0_i32 = arith.constant 0 : i32
    %c0_i32_0 = arith.constant 0 : i32
    return %c0_i32, %arg0 : i32, i32
  }
  func.func @transform_4(%arg0: i32) -> (i32, i32) {
    %c0_i32 = arith.constant 0 : i32
    %c0_i32_0 = arith.constant 0 : i32
    %c0_i32_1 = arith.constant 0 : i32
    return %c0_i32, %c0_i32_0 : i32, i32
  }
  func.func @transform_5(%arg0: i32) -> (i32, i32) {
    %c0_i32 = arith.constant 0 : i32
    %c0_i32_0 = arith.constant 0 : i32
    %c0_i32_1 = arith.constant 0 : i32
    return %c0_i32, %c0_i32_0 : i32, i32
  }
  func.func @transform_6(%arg0: i32) -> (i32, i32) {
    %c0_i32 = arith.constant 0 : i32
    %c0_i32_0 = arith.constant 0 : i32
    return %arg0, %c0_i32 : i32, i32
  }
  func.func @transform_7(%arg0: i32) -> (i32, i32) {
    %c0_i32 = arith.constant 0 : i32
    %c0_i32_0 = arith.constant 0 : i32
    return %arg0, %c0_i32 : i32, i32
  }
  func.func @transform_8(%arg0: i32) -> (i32, i32) {
    %c0_i32 = arith.constant 0 : i32
    %c0_i32_0 = arith.constant 0 : i32
    return %arg0, %c0_i32 : i32, i32
  }
  func.func @transform_9(%arg0: i32) -> (i32, i32) {
    %c0_i32 = arith.constant 0 : i32
    %c0_i32_0 = arith.constant 0 : i32
    %c0_i32_1 = arith.constant 0 : i32
    return %c0_i32, %c0_i32_0 : i32, i32
  }
}

module attributes {stable_mosaic.version = 14 : i64} {
  func.func @_transpose_pad_body(%arg0: i32, %arg1: memref<64x2048xf32, #tpu.memory_space<vmem>>, %arg2: memref<2048x128xf32, #tpu.memory_space<vmem>>) attributes {dimension_semantics = [#tpu.dimension_semantics<arbitrary>], iteration_bounds = array<i64: 49>, scalar_prefetch = 0 : i64, scratch_operands = 0 : i64, tpu.core_type = #tpu.core_type<tc>, window_params = [{transform_indices = @transform_0, window_bounds = array<i64: 64, 2048>}, {transform_indices = @transform_1, window_bounds = array<i64: 2048, 128>}]} {
    %get3A = arith.constant 0 : index
    %get3A_0 = arith.constant 0 : index
    %get3A_1 = vector.load %arg1[%get3A, %get3A_0] : memref<64x2048xf32, #tpu.memory_space<vmem>>, vector<64x2048xf32>
    %transpose3A = tpu.transpose %get3A_1, [1, 0] : vector<64x2048xf32> -> vector<2048x64xf32>
    %broadcast_in_dim3A = arith.constant 0.000000e+00 : f32
    %broadcast_in_dim3A_2 = vector.broadcast %broadcast_in_dim3A : f32 to vector<2048x64xf32>
    %concatenate3A = tpu.concatenate %transpose3A, %broadcast_in_dim3A_2 in 1 : vector<2048x64xf32>, vector<2048x64xf32> -> vector<2048x128xf32>
    %swap3A = arith.constant 0 : index
    %swap3A_3 = arith.constant 0 : index
    %swap3A_4 = vector.load %arg2[%swap3A, %swap3A_3] : memref<2048x128xf32, #tpu.memory_space<vmem>>, vector<2048x128xf32>
    tpu.vector_store %arg2[%swap3A, %swap3A_3], %concatenate3A {strides = array<i32>} : memref<2048x128xf32, #tpu.memory_space<vmem>>, vector<2048x128xf32>,
    return
  }
  func.func @transform_0(%arg0: i32) -> (i32, i32) {
    %c0_i32 = arith.constant 0 : i32
    %c0_i32_0 = arith.constant 0 : i32
    return %c0_i32, %arg0 : i32, i32
  }
  func.func @transform_1(%arg0: i32) -> (i32, i32) {
    %c0_i32 = arith.constant 0 : i32
    %c0_i32_0 = arith.constant 0 : i32
    return %arg0, %c0_i32 : i32, i32
  }
}

</mosaic_0001>

<sc_bundles>
// kernel: kernel.7.cloned.1.call-start
scs
__scs_entry_jumppad:
0x0: {  	(pc) =	sbr.rel $0x88, $3  }
0x1: {  	(tag) =	ssettag $0x0;
	lr =	simm.s32 $0x1  }
0x2: {  	[smem:$0x3F96] =	sst lr;
	_ =	strace $0xD0000000  }
0x3: {  	_ = 	snop  }
0x4: {  	_ = 	snop  }
0x5: {  	_ = 	snop  }
0x6: {  	_ = 	snop  }
0x7: {  	_ = 	snop  }
__scs_overlays_trampoline_lowered:
0x8: {  	[smem:$0x3FA5] =	sst s0  }
0x9: {  	[smem:$0x3FA6] =	sst s1  }
0xa: {  	[smem:$0x3FA7] =	sst s2  }
0xb: {  	[smem:$0x3FA8] =	sst s3  }
0xc: {  	[smem:$0x3FA9] =	sst s4  }
0xd: {  	[smem:$0x3FAA] =	sst s5  }
0xe: {  	[smem:$0x3FAB] =	sst s6  }
0xf: {  	[smem:$0x3FAC] =	sst s7  }
0x10: {  	[smem:$0x3FAD] =	sst s8  }
0x11: {  	[smem:$0x3FAE] =	sst s9;
	s0 =	simm.s32 @!p0 $0x0  }
0x12: {  	s1 =	sld [smem:$0x3F94];
	s0 =	simm.s32 @p0 $0x1  }
0x13: {  	[smem:$0x3FAF] =	sst s0;
	s0 =	simm.s32 @!p1 $0x0  }
0x14: {  	s2 =	sld [smem:$0x3F93];
	s0 =	simm.s32 @p1 $0x1  }
0x15: {  	[smem:$0x3FB0] =	sst s0;
	s0 =	simm.s32 @!p2 $0x0  }
0x16: {  	s3 =	sld [smem:$0x3FDB];
	s0 =	simm.s32 @p2 $0x1  }
0x17: {  	s4 =	simm.s32 $0x1BF5;
	[smem:$0x3FB2] =	sst s0  }
0x18: {  	s0 =	sld [smem:$0x3F95];
	_ =	swait.ge [sflag:s4], $0x0  }
0x19: {  	s7 =	sld [smem:$0x3F96]  }
0x1a: {  	s8 =	sadd.s32 $0xFFFFE003, lr  }
0x1b: {  	s9 =	sadd.s32 $0xFFFFFEF7, lr;
	s5 =	simm.s32 $0xFFFFFFFF;
	p2 =	slt.u32 s8, $0xFFFFF086  }
0x1c: {  	p1 =	slt.u32 s9, $0xF7A;
	s5 =	simm.s32 @!p2 $0x0  }
0x1d: {  	s5 =	simm.s32 @p1 $0x1;
	p0 =	seq.s32 s7, s2  }
0x1e: {  	s7 =	smul.u32 @!p0 $0xF7A, s2;
	p2 =	seq.s32 @!p0 s5, $0x0  }
0x1f: {  	s9 =	smul.u32 $0xF7A, s1;
	s8 =	simm.s32 @!p0 $0x1BF5;
	p2 =	por !p2, p0  }
0x20: {  	[sflag:s8] =	ssyncset.s32 @!p0 $0xFFFFF086;
	s6 =	sadd.s32 @!p0 s3, s7;
	s7 =	simm.s32 @!p0 $0x108  }
0x21: {  	s3 =	sadd.s32 s3, s9;
	s6 =	sadd.s32 @!p0 $0x88, s6;
	s7 =	simm.s32 @p2 $0x1082  }
0x22: {  	[simem:s7], [sflag:s8] =	dma.local @!p0 [hbm:s6], $0xF7A  }
0x23: {  	s9 =	sor.u32 $0xD0000000, s2;
	s6 =	simm.s32 $0x108;
	_ =	swait.ge @!p0 [sflag:s8], $0x0  }
0x24: {  	s3 =	sadd.s32 $0x88, s3;
	s6 =	simm.s32 @!p1 $0x1082;
	[sflag:s4] =	ssyncset.s32 $0xFFFFF086  }
0x25: {  	[simem:s6], [sflag:s4] =	dma.local [hbm:s3], $0xF7A  }
0x26: {  	[smem:$0x3F96] =	sst s1;
	(tag) =	ssettag s2;
	_ =	strace s9  }
0x27: {  	s1 =	sld [smem:$0x3FA6]  }
0x28: {  	s2 =	sld [smem:$0x3FA7]  }
0x29: {  	s4 =	sld [smem:$0x3FA9]  }
0x2a: {  	p0 =	seq.s32 s5, $0x0;
	s5 =	sld [smem:$0x3FAA]  }
0x2b: {  	s6 =	sld [smem:$0x3FAB]  }
0x2c: {  	s7 =	sld [smem:$0x3FAC]  }
0x2d: {  	s3 =	simm.s32 $0x108;
	s8 =	sld [smem:$0x3FAD]  }
0x2e: {  	s3 =	simm.s32 @!p0 $0x1082;
	s9 =	sld [smem:$0x3FAE]  }
0x2f: {  	lr =	sadd.s32 s0, s3;
	s0 =	sld [smem:$0x3FA5]  }
0x30: {  	s3 =	sld [smem:$0x3FA8]  }
0x31: {  	[smem:$0x3FB1] =	sst s10  }
0x32: {  	s10 =	sld [smem:$0x3FAF];
	_ =	sdelay $0x3  }
0x33: {  	p0 =	seq.s32 s10, $0x1;
	s10 =	sld [smem:$0x3FB1];
	_ =	sdelay $0x3  }
0x34: {  	[smem:$0x3FB1] =	sst s10  }
0x35: {  	s10 =	sld [smem:$0x3FB0];
	_ =	sdelay $0x3  }
0x36: {  	p1 =	seq.s32 s10, $0x1;
	s10 =	sld [smem:$0x3FB1];
	_ =	sdelay $0x3  }
0x37: {  	[smem:$0x3FB1] =	sst s10  }
0x38: {  	s10 =	sld [smem:$0x3FB2]  }
0x39: {  	_ = 	snop;
	(pc) =	sbr.ind lr, $3  }
0x3a: {  	_ = 	snop  }
0x3b: {  	_ = 	snop  }
0x3c: {  	p2 =	seq.s32 s10, $0x1;
	s10 =	sld [smem:$0x3FB1]  }
0x3d: {  	_ =	shalt  }
0x3e: {  	_ =	shalt  }
0x3f: {  	_ =	shalt  }
0x40: {  	_ =	shalt  }
0x41: {  	_ =	shalt  }
0x42: {  	_ =	shalt  }
0x43: {  	_ =	shalt  }
0x44: {  	_ =	shalt  }
0x45: {  	_ =	shalt  }
0x46: {  	_ =	shalt  }
0x47: {  	_ =	shalt  }
0x48: {  	_ =	shalt  }
0x49: {  	_ =	shalt  }
0x4a: {  	_ =	shalt  }
0x4b: {  	_ =	shalt  }
0x4c: {  	_ =	shalt  }
0x4d: {  	_ =	shalt  }
0x4e: {  	_ =	shalt  }
0x4f: {  	_ =	shalt  }
0x50: {  	_ =	shalt  }
0x51: {  	_ =	shalt  }
0x52: {  	_ =	shalt  }
0x53: {  	_ =	shalt  }
0x54: {  	_ =	shalt  }
0x55: {  	_ =	shalt  }
0x56: {  	_ =	shalt  }
0x57: {  	_ =	shalt  }
0x58: {  	_ =	shalt  }
0x59: {  	_ =	shalt  }
0x5a: {  	_ =	shalt  }
0x5b: {  	_ =	shalt  }
0x5c: {  	_ =	shalt  }
0x5d: {  	_ =	shalt  }
0x5e: {  	_ =	shalt  }
0x5f: {  	_ =	shalt  }
0x60: {  	_ =	shalt  }
0x61: {  	_ =	shalt  }
0x62: {  	_ =	shalt  }
0x63: {  	_ =	shalt  }
0x64: {  	_ =	shalt  }
0x65: {  	_ =	shalt  }
0x66: {  	_ =	shalt  }
0x67: {  	_ =	shalt  }
0x68: {  	_ =	shalt  }
0x69: {  	_ =	shalt  }
0x6a: {  	_ =	shalt  }
0x6b: {  	_ =	shalt  }
0x6c: {  	_ =	shalt  }
0x6d: {  	_ =	shalt  }
0x6e: {  	_ =	shalt  }
0x6f: {  	_ =	shalt  }
0x70: {  	_ =	shalt  }
0x71: {  	_ =	shalt  }
0x72: {  	_ =	shalt  }
0x73: {  	_ =	shalt  }
0x74: {  	_ =	shalt  }
0x75: {  	_ =	shalt  }
0x76: {  	_ =	shalt  }
0x77: {  	_ =	shalt  }
0x78: {  	_ =	shalt  }
0x79: {  	_ =	shalt  }
0x7a: {  	_ =	shalt  }
0x7b: {  	_ =	shalt  }
0x7c: {  	_ =	shalt  }
0x7d: {  	_ =	shalt  }
0x7e: {  	_ =	shalt  }
0x7f: {  	_ =	shalt  }
0x80: {  	_ =	shalt  }
0x81: {  	_ =	shalt  }
0x82: {  	_ =	shalt  }
0x83: {  	_ =	shalt  }
0x84: {  	_ =	shalt  }
0x85: {  	_ =	shalt  }
0x86: {  	_ =	shalt  }
0x87: {  	_ =	shalt  }
.Lfunc_end0:
.L_simem_size_0:
called_computation_lowered:
.L_overlay_start_0:
0x88: {  	s2 =	sld [smem:$0x3FD9]  }
0x89: {  	s3 =	sld [smem:$0x3FFE];
	_ =	sdelay $0x1  }
0x8a: {  	s1 =	srdreg.scid  }
0x8b: {  	s0 =	sand.u32 $0x1, s1  }
0x8c: {  	s17 =	sshll.u32 s0, $0xA;
	s2 =	sadd.s32 s3, s2  }
0x8d: {  	s2 =	sadd.s32 s2, s17  }
0x8e: {  	[smem:$0x3FBD] =	sst s2  }
0x8f: {  	_ = 	snop  }
0x90: {  	s2 =	sld [smem:$0x3FC9]  }
0x91: {  	s18 =	sld [smem:$0x3FC7]  }
0x92: {  	s4 =	sld [smem:$0x3FC5];
	(tm) =	ssettm $0x1  }
0x93: {  	s5 =	sld [smem:$0x3FFB];
	_ =	sdelay $0x3  }
0x94: {  	_ =	strace s5  }
0x95: {  	s5 =	sld [smem:$0x3FFC];
	_ =	sdelay $0x3  }
0x96: {  	_ =	strace s5  }
0x97: {  	s5 =	sld [smem:$0x3FFD];
	_ =	sdelay $0x3  }
0x98: {  	_ =	strace s5  }
0x99: {  	_ =	strace $0x8FFFFFFF  }
0x9a: {  	s19 =	sld [smem:$0x3FDB];
	_ =	sdelay $0x1  }
0x9b: {  	s6 =	simm.s32 $_scs_section_size  }
0x9c: {  	s7 =	simm.s32 $_size__tile_overlayer_lowered;
	s8 =	simm.s32 $_tile_overlayer_lowered  }
0x9d: {  	s22 =	simm.s32 $0x1BFF;
	s21 =	sshll.u32 s8, $0x1;
	s5 =	sadd.s32 s6, s19  }
0x9e: {  	s9 =	simm.s32 $0x0;
	s20 =	sshll.u32 s7, $0x1;
	s7 =	sadd.s32 s21, s5  }
0x9f: {  	[timem:s9], [sflag:s22] =	dma.local [hbm:s7], s20  }
0xa0: {  	_ =	swait.ge [sflag:s22], s20  }
0xa1: {  	s6 =	ssub.s32 $0x0, s20;
	[sflag:s22] =	ssyncset.done $0x0  }
0xa2: {  	[sflag:s22] =	ssyncadd.s32 s6;
	_ =	sdelay $0x1  }
0xa3: {  	s23 =	simm.s32 $0x1B8B  }
0xa4: {  	_ =	swait.ge [sflag:s23], $0x1  }
0xa5: {  	[sflag:s23] =	ssyncset.done $0x0  }
0xa6: {  	s25 =	simm.s32 $0x1B8E;
	s24 =	sld [smem:$0x3FFE];
	[sflag:s23] =	ssyncadd.s32 $0xFFFFFFFF  }
0xa7: {  	s26 =	simm.s32 $execute0_lowered;
	[smem:$0x3FD2] =	sst s25  }
0xa8: {  	s7 =	sshll.u32 s26, $0x1;
	_ =	strace $0x80000046;
	[dreg:$0x1] =	wrdreg $0xFFFFFFFF  }
0xa9: {  	s28 =	simm.s32 $_size_execute0_lowered;
	s5 =	sadd.s32 s5, s7;
	[dreg:$0x0] =	wrdreg $0x0  }
0xaa: {  	s7 =	sshll.u32 s28, $0x1;
	[dreg:$0x2] =	wrdreg s5  }
0xab: {  	[dreg:$0x3] =	wrdreg s7  }
0xac: {  	[dreg:$0x4] =	wrdreg $0xC0  }
0xad: {  	_ =	task [dreg:s9], $0x5FFFF  }
0xae: {  	[dreg:$0x1] =	wrdreg $0xFFFFFFFF  }
0xaf: {  	[dreg:$0x0] =	wrdreg $0x60  }
0xb0: {  	[dreg:$0x2] =	wrdreg s24  }
0xb1: {  	[dreg:$0x3] =	wrdreg s2  }
0xb2: {  	[dreg:$0x4] =	wrdreg s18  }
0xb3: {  	[dreg:$0x5] =	wrdreg s4  }
0xb4: {  	[dreg:$0x6] =	wrdreg $0x9  }
0xb5: {  	_ =	task.clear_ibuf [dreg:s9], $0x7FFFF;
	_ =	strace $0x90000046  }
0xb6: {  	s29 =	simm.s32 $0x9;
	_ =	strace $0x80000048  }
0xb7: {  	_ =	swait.ge [sflag:s29], $0x1  }
0xb8: {  	[sflag:s29] =	ssyncadd.s32 $0xFFFFFFFF  }
0xb9: {  	_ =	strace $0x90000048  }
0xba: {  	_ =	sfence  }
0xbb: {  	s30 =	sld [smem:$0x0];
	_ =	sdelay $0x2  }
0xbc: {  	s31 =	sshll.u32 s1, $0xD;
	s1 =	sshrl.u32 s1, $0x2  }
0xbd: {  	s3 =	sand.u32 $0x4000, s31;
	s1 =	sadd.s32 s1, s30  }
0xbe: {  	s0 =	sor.u32 s3, s0;
	s1 =	sshll.u32 s1, $0x11  }
0xbf: {  	s0 =	sor.u32 s1, s0  }
0xc0: {  	s0 =	sadd.s32 $0x8F2B, s0  }
0xc1: {  	[sflag:s0] =	ssyncadd.remote.s32 $0x1  }
0xc2: {  	_ =	sfence.sel $0xFFFF  }
0xc3: {  	[dreg:$0x0] =	wrdreg $0xFFFFFFFF;
	(pc) =	sbr.abs _section_cstart, $3  }
0xc4: {  	[dreg:$0x1] =	wrdreg $0xFFFFFFFF  }
0xc5: {  	_ =	task.clear_ibuf [dreg:s9], $0x2FFFF;
	_ =	strace $0x9FFFFFFF  }
0xc6: {  	(tm) =	ssettm $0x7FFFFFFF  }
0xc7: {  	_ =	shalt  }
tec
execute0_lowered:
.L_overlay_start_1:
0x0: {  	(tag) =	ssettag $0x1  }
0x1: {  	s17 =	rddreg [dreg:$0x0]  }
0x2: {  	s3 =	rddreg [dreg:$0x1];
	s1 =	srdreg.scid  }
0x3: {  	s5 =	rddreg [dreg:$0x2];
	s0 =	stileid.u32;
	s18 =	sand.u32 $0x1, s1  }
0x4: {  	s7 =	rddreg [dreg:$0x3];
	s4 =	sshll.u32 s0, $0x8;
	s6 =	sshll.u32 s18, $0x7  }
0x5: {  	s2 =	simm.s32 $0x0;
	s1 =	rddreg [dreg:$0x4];
	s19 =	sor.u32 s6, s4  }
0x6: {  	[smem:$0x7FF] =	sst s2;
	s8 =	sshrl.u32 s19, $0x3  }
0x7: {  	_ =	strace $0x80000047;
	s4 =	sadd.s32 s3, s8;
	s3 =	simm.s32 $0x4  }
0x8: {  	[tilespmem:s2], [sflag:$0x4] =	stream.linear.gather [hbm4b:s4+s2], $0x80, $0x38;
	[tilespmem:$0xC180] =	vst v63  }
0x9: {  	_ =	swait.ge [sflag:s3], $0x80  }
0xa: {  	[sflag:s3] =	ssyncset.done $0x0  }
0xb: {  	s6 =	simm.s32 $0x80;
	s5 =	sadd.s32 s5, s8;
	[sflag:s3] =	ssyncadd.s32 $0xFFFFFF80  }
0xc: {  	[tilespmem:s6], [sflag:$0x4] =	stream.linear.gather [hbm4b:s5+s2], $0x80, $0x38;
	[tilespmem:$0xC180] =	vst v63  }
0xd: {  	_ =	swait.ge [sflag:s3], $0x80  }
0xe: {  	[sflag:s3] =	ssyncset.done $0x0  }
0xf: {  	s7 =	sadd.s32 s7, s8;
	s8 =	simm.s32 $0x100;
	[sflag:s3] =	ssyncadd.s32 $0xFFFFFF80  }
0x10: {  	[tilespmem:s8], [sflag:$0x4] =	stream.linear.gather [hbm4b:s7+s2], $0x80, $0x38;
	[tilespmem:$0xC180] =	vst v63  }
0x11: {  	_ =	swait.ge [sflag:s3], $0x80  }
0x12: {  	[sflag:s3] =	ssyncset.done $0x0  }
0x13: {  	s10 =	simm.s32 $0x180;
	s9 =	sadd.s32 $0x1600, s17;
	[sflag:s3] =	ssyncadd.s32 $0xFFFFFF80  }
0x14: {  	[tilespmem:s10], [sflag:$0x1] =	stream.indirect.gather [hbm4b:s9+s6], $0x80, s2, s6, $0xb8;
	[tilespmem:$0xC180] =	vst v63  }
0x15: {  	s12 =	simm.s32 $0x4180;
	s11 =	sadd.s32 $0x188000, s17  }
0x16: {  	[tilespmem:s12], [sflag:$0x2] =	stream.indirect.gather [hbm4b:s11+s6], $0x80, s6, s6, $0xb8;
	[tilespmem:$0xC180] =	vst v63  }
0x17: {  	s13 =	simm.s32 $0x8180;
	s14 =	simm.s32 $0x1  }
0x18: {  	[tilespmem:s13], [sflag:$0x3] =	stream.indirect.gather [hbm4b:s11+s6], $0x80, s8, s6, $0xb8;
	[tilespmem:$0xC180] =	vst v63  }
0x19: {  	_ =	swait.ge [sflag:s14], $0x4000  }
0x1a: {  	[sflag:s14] =	ssyncset.done $0x0  }
0x1b: {  	s15 =	simm.s32 $0x2;
	[sflag:s14] =	ssyncadd.s32 $0xFFFFC000  }
0x1c: {  	_ =	swait.ge [sflag:s15], $0x4000  }
0x1d: {  	[sflag:s15] =	ssyncset.done $0x0  }
0x1e: {  	s16 =	simm.s32 $0x3;
	[sflag:s15] =	ssyncadd.s32 $0xFFFFC000  }
0x1f: {  	s19 =	sshll.u32 s19, $0x4;
	_ =	swait.ge [sflag:s16], $0x4000  }
0x20: {  	s19 =	sadd.s32 s19, s17;
	[sflag:s16] =	ssyncset.done $0x0  }
0x21: {  	s20 =	ssub.s32 $0x2, s18;
	s17 =	sadd.s32 $0x30EA00, s19;
	[sflag:s16] =	ssyncadd.s32 $0xFFFFC000  }
0x22: {  	[hbm4b:s17+s2] =	stream.linear.scatter [tilespmem:s10], [sflag:$0x4], $0x4000, $0x38;
	[tilespmem:$0xC180] =	vst v63  }
0x23: {  	s21 =	sshrl.u32 s20, $0x1;
	_ =	swait.ge [sflag:s3], $0x4000  }
0x24: {  	s20 =	ssub.s32 s20, s21;
	[sflag:s3] =	ssyncset.done $0x0  }
0x25: {  	s20 =	smax.u32 s20, $0x1;
	s18 =	sadd.s32 $0x31EA00, s19;
	[sflag:s3] =	ssyncadd.s32 $0xFFFFC000  }
0x26: {  	[hbm4b:s18+s2] =	stream.linear.scatter [tilespmem:s12], [sflag:$0x4], $0x4000, $0x38;
	[tilespmem:$0xC180] =	vst v63  }
0x27: {  	p0 =	sne.s32 s20, $0x1;
	_ =	swait.ge [sflag:s3], $0x4000  }
.Ltmp0:
0x28: {  	[sflag:s3] =	ssyncset.done $0x0;
	(pc) =	sbr.rel @!p0 .LBB2_2-.Ltmp0, $4  }
0x29: {  	s19 =	sadd.s32 $0x32EA00, s19;
	[sflag:s3] =	ssyncadd.s32 $0xFFFFC000  }
0x2a: {  	[hbm4b:s19+s2] =	stream.linear.scatter [tilespmem:s13], [sflag:$0x4], $0x4000, $0x38;
	[tilespmem:$0xC180] =	vst v63  }
0x2b: {  	_ =	swait.ge [sflag:s3], $0x4000  }
0x2c: {  	s20 =	sadd.s32 $0xFFFFFFFF, s20;
	[sflag:s3] =	ssyncset.done $0x0  }
.LBB2_1:
0x2d: {  	p0 =	sne.s32 s20, $0x1;
	s20 =	sadd.s32 $0xFFFFFFFF, s20;
	[sflag:s3] =	ssyncadd.s32 $0xFFFFC000  }
0x2e: {  	[tilespmem:s2], [sflag:$0x4] =	stream.linear.gather [hbm4b:s4+s2], $0x80, $0x38;
	[tilespmem:$0xC180] =	vst v63  }
0x2f: {  	_ =	swait.ge [sflag:s3], $0x80  }
0x30: {  	[sflag:s3] =	ssyncset.done $0x0  }
0x31: {  	[sflag:s3] =	ssyncadd.s32 $0xFFFFFF80  }
0x32: {  	[tilespmem:s6], [sflag:$0x4] =	stream.linear.gather [hbm4b:s5+s2], $0x80, $0x38;
	[tilespmem:$0xC180] =	vst v63  }
0x33: {  	_ =	swait.ge [sflag:s3], $0x80  }
0x34: {  	[sflag:s3] =	ssyncset.done $0x0  }
0x35: {  	[sflag:s3] =	ssyncadd.s32 $0xFFFFFF80  }
0x36: {  	[tilespmem:s8], [sflag:$0x4] =	stream.linear.gather [hbm4b:s7+s2], $0x80, $0x38;
	[tilespmem:$0xC180] =	vst v63  }
0x37: {  	_ =	swait.ge [sflag:s3], $0x80  }
0x38: {  	[sflag:s3] =	ssyncset.done $0x0  }
0x39: {  	[sflag:s3] =	ssyncadd.s32 $0xFFFFFF80  }
0x3a: {  	[tilespmem:s10], [sflag:$0x1] =	stream.indirect.gather [hbm4b:s9+s6], $0x80, s2, s6, $0xb8;
	[tilespmem:$0xC180] =	vst v63  }
0x3b: {  	_ = 	snop  }
0x3c: {  	[tilespmem:s12], [sflag:$0x2] =	stream.indirect.gather [hbm4b:s11+s6], $0x80, s6, s6, $0xb8;
	[tilespmem:$0xC180] =	vst v63  }
0x3d: {  	_ = 	snop  }
0x3e: {  	[tilespmem:s13], [sflag:$0x3] =	stream.indirect.gather [hbm4b:s11+s6], $0x80, s8, s6, $0xb8;
	[tilespmem:$0xC180] =	vst v63  }
0x3f: {  	_ =	swait.ge [sflag:s14], $0x4000  }
0x40: {  	[sflag:s14] =	ssyncset.done $0x0  }
0x41: {  	[sflag:s14] =	ssyncadd.s32 $0xFFFFC000  }
0x42: {  	_ =	swait.ge [sflag:s15], $0x4000  }
0x43: {  	[sflag:s15] =	ssyncset.done $0x0  }
0x44: {  	[sflag:s15] =	ssyncadd.s32 $0xFFFFC000  }
0x45: {  	_ =	swait.ge [sflag:s16], $0x4000  }
0x46: {  	[sflag:s16] =	ssyncset.done $0x0  }
0x47: {  	[sflag:s16] =	ssyncadd.s32 $0xFFFFC000  }
0x48: {  	[hbm4b:s17+s2] =	stream.linear.scatter [tilespmem:s10], [sflag:$0x4], $0x4000, $0x38;
	[tilespmem:$0xC180] =	vst v63  }
0x49: {  	_ =	swait.ge [sflag:s3], $0x4000  }
0x4a: {  	[sflag:s3] =	ssyncset.done $0x0  }
0x4b: {  	[sflag:s3] =	ssyncadd.s32 $0xFFFFC000  }
0x4c: {  	[hbm4b:s18+s2] =	stream.linear.scatter [tilespmem:s12], [sflag:$0x4], $0x4000, $0x38;
	[tilespmem:$0xC180] =	vst v63  }
0x4d: {  	_ =	swait.ge [sflag:s3], $0x4000  }
.Ltmp1:
0x4e: {  	[sflag:s3] =	ssyncset.done $0x0;
	(pc) =	sbr.rel @p0 .LBB2_1-.Ltmp1, $4  }
0x4f: {  	[sflag:s3] =	ssyncadd.s32 $0xFFFFC000  }
0x50: {  	[hbm4b:s19+s2] =	stream.linear.scatter [tilespmem:s13], [sflag:$0x4], $0x4000, $0x38;
	[tilespmem:$0xC180] =	vst v63  }
0x51: {  	_ =	swait.ge [sflag:s3], $0x4000  }
0x52: {  	[sflag:s3] =	ssyncset.done $0x0  }
.LBB2_2:
0x53: {  	[sflag:s3] =	ssyncadd.s32 $0xFFFFC000  }
0x54: {  	_ =	sfence.sel $0x180000  }
0x55: {  	[bflag:$0x0] =	sbarrier.arrive $0xFFFF  }
0x56: {  	p0 =	sne.s32 s0, $0x0;
	_ =	strace $0x90000047  }
0x57: {  	s0 =	sadd.s32 @!p0 $0x100000, s1;
	[bflag:$0x2] =	sbarrier.arrive $0xFFFF  }
0x58: {  	[sflag:s0] =	ssyncadd.tile.s32 @!p0 $0x1;
	_ =	shalt  }
.Lfunc_end2:
_tile_overlayer_lowered:
.L_overlay_start_2:
0x59: {  	(tag) =	ssettag $0x2  }
0x5a: {  	s0 =	rddreg [dreg:$0x0];
	s2 =	stileid.u32  }
0x5b: {  	s1 =	rddreg [dreg:$0x1];
	p0 =	sne.s32 s2, $0x0  }
0x5c: {  	s3 =	rddreg [dreg:$0x2];
	[bflag:$0x3] =	sbarrier.arrive $0xFFFF;
	s2 =	simm.s32 @!p0 $0x1C04  }
0x5d: {  	[timem:s3], [sflag:s2] =	dma.local @!p0 [hbm:s0], s1  }
0x5e: {  	s0 =	simm.s32 @!p0 $0x4  }
0x5f: {  	_ =	swait.ge @!p0 [sflag:s0], s1  }
0x60: {  	s1 =	ssub.s32 @!p0 $0x0, s1;
	[sflag:s0] =	ssyncset.done @!p0 $0x0  }
0x61: {  	[sflag:s0] =	ssyncadd.s32 @!p0 s1  }
0x62: {  	[bflag:$0x3] =	sbarrier.arrive $0xFFFF  }
0x63: {  	_ =	shalt  }

</sc_bundles>
